<compile_context>
chip_gen: v7x
topology: tpu7x:2x2x1
jax: 0.10.2.dev20260603
libtpu: 0.0.44.dev20260713+nightly
codegen_flags: <defaults>
</compile_context>

<pallas_src>
import functools

import jax
import jax.numpy as jnp
from jax import lax
from jax.experimental import pallas as pl
from jax.experimental.pallas import tpu as pltpu
from jax.experimental.pallas import tpu_sc as plsc

B = 4096
S = 200
D = 64
O = 20

NC = 2
NS = 16
NW = NC * NS
ROWS_PER_W = B // NW
ROWS_PER_SC = B // NC
CHUNK_A = 128
CHUNK_B = S - CHUNK_A
SP = 256


def _sc_pool(x, table):
    mesh = plsc.VectorSubcoreMesh(core_axis_name="c", subcore_axis_name="s")

    @functools.partial(
        pl.kernel,
        out_type=jax.ShapeDtypeStruct((B, D), jnp.float32),
        mesh=mesh,
        scratch_types=[
            pltpu.VMEM((ROWS_PER_W, SP), jnp.int32),
            pltpu.VMEM((ROWS_PER_W, CHUNK_A), jnp.int32),
            pltpu.VMEM((ROWS_PER_W, CHUNK_B), jnp.int32),
            pltpu.VMEM((CHUNK_A, D), jnp.float32),
            pltpu.VMEM((CHUNK_A, D), jnp.float32),
            pltpu.VMEM((CHUNK_A, D), jnp.float32),
            pltpu.VMEM((CHUNK_A, D), jnp.float32),
            pltpu.VMEM((CHUNK_B, D), jnp.float32),
            pltpu.VMEM((CHUNK_B, D), jnp.float32),
            pltpu.VMEM((CHUNK_B, D), jnp.float32),
            pltpu.VMEM((CHUNK_B, D), jnp.float32),
            pltpu.VMEM((ROWS_PER_W, D), jnp.float32),
            pltpu.VMEM_SHARED((ROWS_PER_SC, D), jnp.float32),
        ] + [pltpu.SemaphoreType.DMA] * 16,
        compiler_params=pltpu.CompilerParams(use_tc_tiling_on_sc=False),
    )
    def body(x_hbm, table_hbm, out_hbm,
             idx_v, dest_a, dest_b, ba0, ba1, ba2, ba3, bb0, bb1, bb2, bb3,
             zbuf, acc_sh, *sems):
        c = lax.axis_index("c")
        s = lax.axis_index("s")
        wid = c * NS + s
        local_base = s * ROWS_PER_W

        pltpu.sync_copy(x_hbm.at[pl.ds(wid * ROWS_PER_W, ROWS_PER_W)], idx_v)

        def fill_dest(r, carry):
            v = jnp.full((16,), local_base + r, jnp.int32)
            for j in range(CHUNK_A // 16):
                dest_a[r, pl.ds(j * 16, 16)] = v
            for off in (0, 16, 32, 48, CHUNK_B - 16):
                dest_b[r, pl.ds(off, 16)] = v
            return carry

        lax.fori_loop(0, ROWS_PER_W, fill_dest, 0)

        zero = jnp.zeros((16,), jnp.float32)

        def zero_body(i, carry):
            r = i // (D // 16)
            j = i % (D // 16)
            zbuf[r, pl.ds(j * 16, 16)] = zero
            return carry

        lax.fori_loop(0, ROWS_PER_W * (D // 16), zero_body, 0)
        pltpu.sync_copy(zbuf, acc_sh.at[pl.ds(local_base, ROWS_PER_W)])

        def gref(row, half):
            if half == 0:
                return idx_v.at[row, pl.ds(0, CHUNK_A)]
            return idx_v.at[row, pl.ds(CHUNK_A, CHUNK_B)]

        def start_gather(row, half, buf, sem):
            return pltpu.async_copy(table_hbm.at[gref(row, half)], buf, sem)

        def wait_gather(row, half, buf, sem):
            pltpu.make_async_copy(table_hbm.at[gref(row, half)], buf, sem).wait()

        def start_scatter(row, dv, buf, sem):
            return pltpu.async_copy(buf, acc_sh.at[dv.at[row]], sem, add=True)

        def wait_scatter(row, dv, buf, sem):
            pltpu.make_async_copy(buf, acc_sh.at[dv.at[row]], sem).wait()

        last = ROWS_PER_W - 1

        def run_phase(half, dv, bufs, gsems, ssems):
            start_gather(0, half, bufs[0], gsems[0])
            start_gather(1, half, bufs[1], gsems[1])

            def quad_body(i, carry):
                for k in range(4):
                    r = 4 * i + k
                    wait_gather(r, half, bufs[k], gsems[k])
                    start_scatter(r, dv, bufs[k], ssems[k])
                    kn = (k + 2) % 4

                    @pl.when(r >= 2)
                    def _():
                        wait_scatter(r - 2, dv, bufs[kn], ssems[kn])

                    gr = jnp.minimum(r + 2, last)
                    start_gather(gr, half, bufs[kn], gsems[kn])
                return carry

            lax.fori_loop(0, ROWS_PER_W // 4, quad_body, 0)
            wait_scatter(last - 1, dv, bufs[2], ssems[2])
            wait_scatter(last, dv, bufs[3], ssems[3])
            wait_gather(last, half, bufs[0], gsems[0])
            wait_gather(last, half, bufs[1], gsems[1])

        run_phase(0, dest_a, (ba0, ba1, ba2, ba3), sems[0:4], sems[8:12])
        run_phase(1, dest_b, (bb0, bb1, bb2, bb3), sems[4:8], sems[12:16])

        pltpu.sync_copy(
            acc_sh.at[pl.ds(local_base, ROWS_PER_W)],
            out_hbm.at[pl.ds(wid * ROWS_PER_W, ROWS_PER_W)],
        )

    return body(x, table)


def _head_body(s_ref, w_ref, b_ref, o_ref):
    rep = jnp.maximum(s_ref[...] * (1.0 / S), 0.0)
    o_ref[...] = (
        jnp.dot(rep, w_ref[...], preferred_element_type=jnp.float32)
        + b_ref[...]
    )


def _tc_head(sums, W, b):
    blk = 1024
    return pl.pallas_call(
        _head_body,
        out_shape=jax.ShapeDtypeStruct((B, O), jnp.float32),
        grid=(B // blk,),
        in_specs=[
            pl.BlockSpec((blk, D), lambda i: (i, 0)),
            pl.BlockSpec((D, O), lambda i: (0, 0)),
            pl.BlockSpec((1, O), lambda i: (0, 0)),
        ],
        out_specs=pl.BlockSpec((blk, O), lambda i: (i, 0)),
    )(sums, W, b.reshape(1, O))


def kernel(x, lengths, table, W, b):
    del lengths
    xp = jnp.pad(x.astype(jnp.int32), ((0, 0), (0, SP - S)))
    sums = _sc_pool(xp, table)
    return _tc_head(sums, W, b)

# --- scband reference (transcript-rebuilt; emitter-appended) ---
"""Pipeline reference for scband-baseline-dnn-20194936225995 (READ-ONLY COPY).

The authoritative reference and input builder live on the scoring server;
editing this copy changes nothing except your own understanding.
"""

import jax, jax.numpy as jnp
import numpy as np

VOCAB = 1000000
EMB_DIM = 64
OUTPUT_SIZE = 20
BATCH = 4096
SEQ = 200

def setup_inputs(seed: int = 0) -> dict:
    key = jax.random.key(seed)
    k1, k2, k3, k4, k5 = jax.random.split(key, 5)
    x = jax.random.randint(k1, (BATCH, SEQ), 0, VOCAB, dtype=jnp.int64) if jax.config.jax_enable_x64 else jax.random.randint(k1, (BATCH, SEQ), 0, VOCAB, dtype=jnp.int32)
    lengths = jax.random.randint(k2, (BATCH,), 0, SEQ, dtype=x.dtype)
    table = jax.random.normal(k3, (VOCAB, EMB_DIM), dtype=jnp.float32)
    W = jax.random.normal(k4, (EMB_DIM, OUTPUT_SIZE), dtype=jnp.float32) * (1.0 / np.sqrt(EMB_DIM))
    b = jax.random.normal(k5, (OUTPUT_SIZE,), dtype=jnp.float32) * 0.01
    return {"x": x, "lengths": lengths, "table": table, "W": W, "b": b}

def reference(x, lengths, table, W, b):
    # embeddings = self.embed_l(x)  -> gather rows from the pretrained table
    embeddings = jnp.take(table, x, axis=0)            # [B, S, D]
    # representations = torch.mean(embeddings, dim=1)
    representations = jnp.mean(embeddings, axis=1)      # [B, D]
    # representations = self.relu(representations)
    representations = jax.nn.relu(representations)
    # logits = self.linear1(representations)
    logits = representations @ W + b                    # [B, output_size]
    return logits

if __name__ == "__main__":
    import jax
    _d = setup_inputs()
    print(jax.jit(kernel)(*tuple(_d.values())))

</pallas_src>

<mosaic_0001>
#map = affine_map<(d0, d1) -> (0, 0)>
module attributes {stable_mosaic.version = 14 : i64} {
  func.func @body(%arg0: i32, %arg1: i32, %arg2: memref<4096x256xi32, #tpu.memory_space<hbm>>, %arg3: memref<1000000x64xf32, #tpu.memory_space<hbm>>, %arg4: memref<4096x64xf32, #tpu.memory_space<hbm>>, %arg5: memref<128x256xi32, #tpu.memory_space<vmem>>, %arg6: memref<128x128xi32, #tpu.memory_space<vmem>>, %arg7: memref<128x72xi32, #tpu.memory_space<vmem>>, %arg8: memref<128x64xf32, #tpu.memory_space<vmem>>, %arg9: memref<128x64xf32, #tpu.memory_space<vmem>>, %arg10: memref<128x64xf32, #tpu.memory_space<vmem>>, %arg11: memref<128x64xf32, #tpu.memory_space<vmem>>, %arg12: memref<72x64xf32, #tpu.memory_space<vmem>>, %arg13: memref<72x64xf32, #tpu.memory_space<vmem>>, %arg14: memref<72x64xf32, #tpu.memory_space<vmem>>, %arg15: memref<72x64xf32, #tpu.memory_space<vmem>>, %arg16: memref<128x64xf32, #tpu.memory_space<vmem>>, %arg17: memref<2048x64xf32, #tpu.memory_space<vmem_shared>>, %arg18: memref<!tpu.dma_semaphore, #tpu.memory_space<semaphore_mem>>, %arg19: memref<!tpu.dma_semaphore, #tpu.memory_space<semaphore_mem>>, %arg20: memref<!tpu.dma_semaphore, #tpu.memory_space<semaphore_mem>>, %arg21: memref<!tpu.dma_semaphore, #tpu.memory_space<semaphore_mem>>, %arg22: memref<!tpu.dma_semaphore, #tpu.memory_space<semaphore_mem>>, %arg23: memref<!tpu.dma_semaphore, #tpu.memory_space<semaphore_mem>>, %arg24: memref<!tpu.dma_semaphore, #tpu.memory_space<semaphore_mem>>, %arg25: memref<!tpu.dma_semaphore, #tpu.memory_space<semaphore_mem>>, %arg26: memref<!tpu.dma_semaphore, #tpu.memory_space<semaphore_mem>>, %arg27: memref<!tpu.dma_semaphore, #tpu.memory_space<semaphore_mem>>, %arg28: memref<!tpu.dma_semaphore, #tpu.memory_space<semaphore_mem>>, %arg29: memref<!tpu.dma_semaphore, #tpu.memory_space<semaphore_mem>>, %arg30: memref<!tpu.dma_semaphore, #tpu.memory_space<semaphore_mem>>, %arg31: memref<!tpu.dma_semaphore, #tpu.memory_space<semaphore_mem>>, %arg32: memref<!tpu.dma_semaphore, #tpu.memory_space<semaphore_mem>>, %arg33: memref<!tpu.dma_semaphore, #tpu.memory_space<semaphore_mem>>) attributes {dimension_semantics = [#tpu.dimension_semantics<core_parallel>, #tpu.dimension_semantics<subcore_parallel>], iteration_bounds = array<i64: 2, 16>, scalar_prefetch = 0 : i64, scratch_operands = 29 : i64, tpu.core_type = #tpu.core_type<sc_vector_subcore>, window_params = [{transform_indices = #map}, {transform_indices = #map}, {transform_indices = #map}]} {
    %mul3A = arith.constant 16 : i32
    %mul3A_0 = arith.muli %arg0, %mul3A : i32
    %add3A = arith.addi %mul3A_0, %arg1 : i32
    %mul3A_1 = arith.constant 128 : i32
    %mul3A_2 = arith.muli %arg1, %mul3A_1 : i32
    %mul3A_3 = arith.constant 128 : i32
    %mul3A_4 = arith.muli %add3A, %mul3A_3 : i32
    "tpu.region"() ({
      %run_scoped3A = tpu.sem_alloc : memref<!tpu.dma_semaphore, #tpu.memory_space<semaphore_mem>>
      %dma_start3A_113 = arith.constant 0 : i32
      %dma_start3A_114 = tpu.memref_slice %arg2[%mul3A_4, %dma_start3A_113] : memref<4096x256xi32, #tpu.memory_space<hbm>> -> memref<128x256xi32, #tpu.memory_space<hbm>>
      %dma_start3A_115 = arith.constant 0 : i32
      %dma_start3A_116 = tpu.memref_slice %arg2[%mul3A_4, %dma_start3A_115] : memref<4096x256xi32, #tpu.memory_space<hbm>> -> memref<128x256xi32, #tpu.memory_space<hbm>>
      tpu.enqueue_dma source(%dma_start3A_116 : memref<128x256xi32, #tpu.memory_space<hbm>>) target(%arg5 : memref<128x256xi32, #tpu.memory_space<vmem>>) target_semaphore(%run_scoped3A : memref<!tpu.dma_semaphore, #tpu.memory_space<semaphore_mem>>)
      %dma_wait3A_117 = arith.constant 0 : i32
      %dma_wait3A_118 = tpu.memref_slice %arg2[%mul3A_4, %dma_wait3A_117] : memref<4096x256xi32, #tpu.memory_space<hbm>> -> memref<128x256xi32, #tpu.memory_space<hbm>>
      %dma_wait3A_119 = arith.constant 0 : i32
      %dma_wait3A_120 = tpu.memref_slice %arg2[%mul3A_4, %dma_wait3A_119] : memref<4096x256xi32, #tpu.memory_space<hbm>> -> memref<128x256xi32, #tpu.memory_space<hbm>>
      tpu.wait_dma2 semaphore(%run_scoped3A : memref<!tpu.dma_semaphore, #tpu.memory_space<semaphore_mem>>) src(%dma_wait3A_120 : memref<128x256xi32, #tpu.memory_space<hbm>>) dst(%arg5 : memref<128x256xi32, #tpu.memory_space<vmem>>)
      tpu.yield
    }) : () -> ()
    %scan3A = arith.constant 0 : i32
    %scan3A_5 = arith.constant 0 : i32
    %scan3A_6 = arith.constant 128 : i32
    %scan3A_7 = arith.addi %scan3A_5, %scan3A_6 : i32
    %scan3A_8 = arith.constant 1 : i32
    scf.for %scan3A_113 = %scan3A_5 to %scan3A_7 step %scan3A_8  : i32 {
      %add3A_114 = arith.addi %mul3A_2, %scan3A_113 : i32
      %broadcast_in_dim3A_115 = vector.broadcast %add3A_114 : i32 to vector<16xi32>
      %swap3A = arith.index_cast %scan3A_113 : i32 to index
      %swap3A_116 = arith.constant 0 : index
      %swap3A_117 = tpu.vector_load %arg6[%swap3A, %swap3A_116] {strides = array<i32>} : memref<128x128xi32, #tpu.memory_space<vmem>>, vector<1x16xi32>,
      %swap3A_118 = vector.shape_cast %swap3A_117 : vector<1x16xi32> to vector<16xi32>
      %swap3A_119 = vector.shape_cast %broadcast_in_dim3A_115 : vector<16xi32> to vector<1x16xi32>
      tpu.vector_store %arg6[%swap3A, %swap3A_116], %swap3A_119 {strides = array<i32>} : memref<128x128xi32, #tpu.memory_space<vmem>>, vector<1x16xi32>,
      %swap3A_120 = arith.index_cast %scan3A_113 : i32 to index
      %swap3A_121 = arith.constant 16 : index
      %swap3A_122 = tpu.vector_load %arg6[%swap3A_120, %swap3A_121] {strides = array<i32>} : memref<128x128xi32, #tpu.memory_space<vmem>>, vector<1x16xi32>,
      %swap3A_123 = vector.shape_cast %swap3A_122 : vector<1x16xi32> to vector<16xi32>
      %swap3A_124 = vector.shape_cast %broadcast_in_dim3A_115 : vector<16xi32> to vector<1x16xi32>
      tpu.vector_store %arg6[%swap3A_120, %swap3A_121], %swap3A_124 {strides = array<i32>} : memref<128x128xi32, #tpu.memory_space<vmem>>, vector<1x16xi32>,
      %swap3A_125 = arith.index_cast %scan3A_113 : i32 to index
      %swap3A_126 = arith.constant 32 : index
      %swap3A_127 = tpu.vector_load %arg6[%swap3A_125, %swap3A_126] {strides = array<i32>} : memref<128x128xi32, #tpu.memory_space<vmem>>, vector<1x16xi32>,
      %swap3A_128 = vector.shape_cast %swap3A_127 : vector<1x16xi32> to vector<16xi32>
      %swap3A_129 = vector.shape_cast %broadcast_in_dim3A_115 : vector<16xi32> to vector<1x16xi32>
      tpu.vector_store %arg6[%swap3A_125, %swap3A_126], %swap3A_129 {strides = array<i32>} : memref<128x128xi32, #tpu.memory_space<vmem>>, vector<1x16xi32>,
      %swap3A_130 = arith.index_cast %scan3A_113 : i32 to index
      %swap3A_131 = arith.constant 48 : index
      %swap3A_132 = tpu.vector_load %arg6[%swap3A_130, %swap3A_131] {strides = array<i32>} : memref<128x128xi32, #tpu.memory_space<vmem>>, vector<1x16xi32>,
      %swap3A_133 = vector.shape_cast %swap3A_132 : vector<1x16xi32> to vector<16xi32>
      %swap3A_134 = vector.shape_cast %broadcast_in_dim3A_115 : vector<16xi32> to vector<1x16xi32>
      tpu.vector_store %arg6[%swap3A_130, %swap3A_131], %swap3A_134 {strides = array<i32>} : memref<128x128xi32, #tpu.memory_space<vmem>>, vector<1x16xi32>,
      %swap3A_135 = arith.index_cast %scan3A_113 : i32 to index
      %swap3A_136 = arith.constant 64 : index
      %swap3A_137 = tpu.vector_load %arg6[%swap3A_135, %swap3A_136] {strides = array<i32>} : memref<128x128xi32, #tpu.memory_space<vmem>>, vector<1x16xi32>,
      %swap3A_138 = vector.shape_cast %swap3A_137 : vector<1x16xi32> to vector<16xi32>
      %swap3A_139 = vector.shape_cast %broadcast_in_dim3A_115 : vector<16xi32> to vector<1x16xi32>
      tpu.vector_store %arg6[%swap3A_135, %swap3A_136], %swap3A_139 {strides = array<i32>} : memref<128x128xi32, #tpu.memory_space<vmem>>, vector<1x16xi32>,
      %swap3A_140 = arith.index_cast %scan3A_113 : i32 to index
      %swap3A_141 = arith.constant 80 : index
      %swap3A_142 = tpu.vector_load %arg6[%swap3A_140, %swap3A_141] {strides = array<i32>} : memref<128x128xi32, #tpu.memory_space<vmem>>, vector<1x16xi32>,
      %swap3A_143 = vector.shape_cast %swap3A_142 : vector<1x16xi32> to vector<16xi32>
      %swap3A_144 = vector.shape_cast %broadcast_in_dim3A_115 : vector<16xi32> to vector<1x16xi32>
      tpu.vector_store %arg6[%swap3A_140, %swap3A_141], %swap3A_144 {strides = array<i32>} : memref<128x128xi32, #tpu.memory_space<vmem>>, vector<1x16xi32>,
      %swap3A_145 = arith.index_cast %scan3A_113 : i32 to index
      %swap3A_146 = arith.constant 96 : index
      %swap3A_147 = tpu.vector_load %arg6[%swap3A_145, %swap3A_146] {strides = array<i32>} : memref<128x128xi32, #tpu.memory_space<vmem>>, vector<1x16xi32>,
      %swap3A_148 = vector.shape_cast %swap3A_147 : vector<1x16xi32> to vector<16xi32>
      %swap3A_149 = vector.shape_cast %broadcast_in_dim3A_115 : vector<16xi32> to vector<1x16xi32>
      tpu.vector_store %arg6[%swap3A_145, %swap3A_146], %swap3A_149 {strides = array<i32>} : memref<128x128xi32, #tpu.memory_space<vmem>>, vector<1x16xi32>,
      %swap3A_150 = arith.index_cast %scan3A_113 : i32 to index
      %swap3A_151 = arith.constant 112 : index
      %swap3A_152 = tpu.vector_load %arg6[%swap3A_150, %swap3A_151] {strides = array<i32>} : memref<128x128xi32, #tpu.memory_space<vmem>>, vector<1x16xi32>,
      %swap3A_153 = vector.shape_cast %swap3A_152 : vector<1x16xi32> to vector<16xi32>
      %swap3A_154 = vector.shape_cast %broadcast_in_dim3A_115 : vector<16xi32> to vector<1x16xi32>
      tpu.vector_store %arg6[%swap3A_150, %swap3A_151], %swap3A_154 {strides = array<i32>} : memref<128x128xi32, #tpu.memory_space<vmem>>, vector<1x16xi32>,
      %swap3A_155 = arith.index_cast %scan3A_113 : i32 to index
      %swap3A_156 = arith.constant 0 : index
      %swap3A_157 = tpu.vector_load %arg7[%swap3A_155, %swap3A_156] {strides = array<i32>} : memref<128x72xi32, #tpu.memory_space<vmem>>, vector<1x16xi32>,
      %swap3A_158 = vector.shape_cast %swap3A_157 : vector<1x16xi32> to vector<16xi32>
      %swap3A_159 = vector.shape_cast %broadcast_in_dim3A_115 : vector<16xi32> to vector<1x16xi32>
      tpu.vector_store %arg7[%swap3A_155, %swap3A_156], %swap3A_159 {strides = array<i32>} : memref<128x72xi32, #tpu.memory_space<vmem>>, vector<1x16xi32>,
      %swap3A_160 = arith.index_cast %scan3A_113 : i32 to index
      %swap3A_161 = arith.constant 16 : index
      %swap3A_162 = tpu.vector_load %arg7[%swap3A_160, %swap3A_161] {strides = array<i32>} : memref<128x72xi32, #tpu.memory_space<vmem>>, vector<1x16xi32>,
      %swap3A_163 = vector.shape_cast %swap3A_162 : vector<1x16xi32> to vector<16xi32>
      %swap3A_164 = vector.shape_cast %broadcast_in_dim3A_115 : vector<16xi32> to vector<1x16xi32>
      tpu.vector_store %arg7[%swap3A_160, %swap3A_161], %swap3A_164 {strides = array<i32>} : memref<128x72xi32, #tpu.memory_space<vmem>>, vector<1x16xi32>,
      %swap3A_165 = arith.index_cast %scan3A_113 : i32 to index
      %swap3A_166 = arith.constant 32 : index
      %swap3A_167 = tpu.vector_load %arg7[%swap3A_165, %swap3A_166] {strides = array<i32>} : memref<128x72xi32, #tpu.memory_space<vmem>>, vector<1x16xi32>,
      %swap3A_168 = vector.shape_cast %swap3A_167 : vector<1x16xi32> to vector<16xi32>
      %swap3A_169 = vector.shape_cast %broadcast_in_dim3A_115 : vector<16xi32> to vector<1x16xi32>
      tpu.vector_store %arg7[%swap3A_165, %swap3A_166], %swap3A_169 {strides = array<i32>} : memref<128x72xi32, #tpu.memory_space<vmem>>, vector<1x16xi32>,
      %swap3A_170 = arith.index_cast %scan3A_113 : i32 to index
      %swap3A_171 = arith.constant 48 : index
      %swap3A_172 = tpu.vector_load %arg7[%swap3A_170, %swap3A_171] {strides = array<i32>} : memref<128x72xi32, #tpu.memory_space<vmem>>, vector<1x16xi32>,
      %swap3A_173 = vector.shape_cast %swap3A_172 : vector<1x16xi32> to vector<16xi32>
      %swap3A_174 = vector.shape_cast %broadcast_in_dim3A_115 : vector<16xi32> to vector<1x16xi32>
      tpu.vector_store %arg7[%swap3A_170, %swap3A_171], %swap3A_174 {strides = array<i32>} : memref<128x72xi32, #tpu.memory_space<vmem>>, vector<1x16xi32>,
      %swap3A_175 = arith.index_cast %scan3A_113 : i32 to index
      %swap3A_176 = arith.constant 56 : index
      %swap3A_177 = tpu.vector_load %arg7[%swap3A_175, %swap3A_176] {strides = array<i32>} : memref<128x72xi32, #tpu.memory_space<vmem>>, vector<1x16xi32>,
      %swap3A_178 = vector.shape_cast %swap3A_177 : vector<1x16xi32> to vector<16xi32>
      %swap3A_179 = vector.shape_cast %broadcast_in_dim3A_115 : vector<16xi32> to vector<1x16xi32>
      tpu.vector_store %arg7[%swap3A_175, %swap3A_176], %swap3A_179 {strides = array<i32>} : memref<128x72xi32, #tpu.memory_space<vmem>>, vector<1x16xi32>,
    }
    %scan3A_9 = arith.constant 128 : i32
    %broadcast_in_dim3A = arith.constant 0.000000e+00 : f32
    %broadcast_in_dim3A_10 = vector.broadcast %broadcast_in_dim3A : f32 to vector<16xf32>
    %scan3A_11 = arith.constant 0 : i32
    %scan3A_12 = arith.constant 0 : i32
    %scan3A_13 = arith.constant 512 : i32
    %scan3A_14 = arith.addi %scan3A_12, %scan3A_13 : i32
    %scan3A_15 = arith.constant 1 : i32
    scf.for %scan3A_113 = %scan3A_12 to %scan3A_14 step %scan3A_15  : i32 {
      %jit3A = arith.constant 4 : i32
      %div3A = arith.divsi %scan3A_113, %jit3A : i32
      %sign3A = arith.constant 0 : i32
      %sign3A_114 = arith.cmpi sgt, %scan3A_113, %sign3A : i32
      %sign3A_115 = arith.extui %sign3A_114 : i1 to i32
      %sign3A_116 = arith.constant 0 : i32
      %sign3A_117 = arith.cmpi slt, %scan3A_113, %sign3A_116 : i32
      %sign3A_118 = arith.extui %sign3A_117 : i1 to i32
      %sign3A_119 = arith.subi %sign3A_115, %sign3A_118 : i32
      %sign3A_120 = arith.constant 0 : i32
      %sign3A_121 = arith.cmpi sgt, %jit3A, %sign3A_120 : i32
      %sign3A_122 = arith.extui %sign3A_121 : i1 to i32
      %sign3A_123 = arith.constant 0 : i32
      %sign3A_124 = arith.cmpi slt, %jit3A, %sign3A_123 : i32
      %sign3A_125 = arith.extui %sign3A_124 : i1 to i32
      %sign3A_126 = arith.subi %sign3A_122, %sign3A_125 : i32
      %ne3A = arith.cmpi ne, %sign3A_119, %sign3A_126 : i32
      %rem3A = arith.remsi %scan3A_113, %jit3A : i32
      %ne3A_127 = arith.constant 0 : i32
      %ne3A_128 = arith.cmpi ne, %rem3A, %ne3A_127 : i32
      %and3A = arith.andi %ne3A, %ne3A_128 : i1
      %sub3A = arith.constant 1 : i32
      %sub3A_129 = arith.subi %div3A, %sub3A : i32
      %select_n3A = arith.select %and3A, %sub3A_129, %div3A : i32
      %jit3A_130 = arith.constant 4 : i32
      %eq3A = arith.constant 0 : i32
      %eq3A_131 = arith.cmpi eq, %jit3A_130, %eq3A : i32
      %jit3A_132 = arith.constant 1 : i32
      %select_n3A_133 = arith.select %eq3A_131, %jit3A_132, %jit3A_130 : i32
      %rem3A_134 = arith.remsi %scan3A_113, %select_n3A_133 : i32
      %ne3A_135 = arith.constant 0 : i32
      %ne3A_136 = arith.cmpi ne, %rem3A_134, %ne3A_135 : i32
      %lt3A = arith.constant 0 : i32
      %lt3A_137 = arith.cmpi slt, %rem3A_134, %lt3A : i32
      %lt3A_138 = arith.constant 0 : i32
      %lt3A_139 = arith.cmpi slt, %select_n3A_133, %lt3A_138 : i32
      %ne3A_140 = arith.xori %lt3A_137, %lt3A_139 : i1
      %and3A_141 = arith.andi %ne3A_140, %ne3A_136 : i1
      %add3A_142 = arith.addi %rem3A_134, %select_n3A_133 : i32
      %select_n3A_143 = arith.select %and3A_141, %add3A_142, %rem3A_134 : i32
      %mul3A_144 = arith.constant 16 : i32
      %mul3A_145 = arith.muli %select_n3A_143, %mul3A_144 : i32
      %swap3A = arith.index_cast %select_n3A : i32 to index
      %swap3A_146 = arith.index_cast %mul3A_145 : i32 to index
      %swap3A_147 = tpu.vector_load %arg16[%swap3A, %swap3A_146] {strides = array<i32>} : memref<128x64xf32, #tpu.memory_space<vmem>>, vector<1x16xf32>,
      %swap3A_148 = vector.shape_cast %swap3A_147 : vector<1x16xf32> to vector<16xf32>
      %swap3A_149 = vector.shape_cast %broadcast_in_dim3A_10 : vector<16xf32> to vector<1x16xf32>
      tpu.vector_store %arg16[%swap3A, %swap3A_146], %swap3A_149 {strides = array<i32>} : memref<128x64xf32, #tpu.memory_space<vmem>>, vector<1x16xf32>,
    }
    %scan3A_16 = arith.constant 512 : i32
    "tpu.region"() ({
      %run_scoped3A = tpu.sem_alloc : memref<!tpu.dma_semaphore, #tpu.memory_space<semaphore_mem>>
      %dma_start3A_113 = arith.constant 0 : i32
      %dma_start3A_114 = tpu.memref_slice %arg17[%mul3A_2, %dma_start3A_113] : memref<2048x64xf32, #tpu.memory_space<vmem_shared>> -> memref<128x64xf32, #tpu.memory_space<vmem_shared>>
      %dma_start3A_115 = arith.constant 0 : i32
      %dma_start3A_116 = tpu.memref_slice %arg17[%mul3A_2, %dma_start3A_115] : memref<2048x64xf32, #tpu.memory_space<vmem_shared>> -> memref<128x64xf32, #tpu.memory_space<vmem_shared>>
      tpu.enqueue_dma source(%arg16 : memref<128x64xf32, #tpu.memory_space<vmem>>) target(%dma_start3A_116 : memref<128x64xf32, #tpu.memory_space<vmem_shared>>) target_semaphore(%run_scoped3A : memref<!tpu.dma_semaphore, #tpu.memory_space<semaphore_mem>>)
      %dma_wait3A_117 = arith.constant 0 : i32
      %dma_wait3A_118 = tpu.memref_slice %arg17[%mul3A_2, %dma_wait3A_117] : memref<2048x64xf32, #tpu.memory_space<vmem_shared>> -> memref<128x64xf32, #tpu.memory_space<vmem_shared>>
      %dma_wait3A_119 = arith.constant 0 : i32
      %dma_wait3A_120 = tpu.memref_slice %arg17[%mul3A_2, %dma_wait3A_119] : memref<2048x64xf32, #tpu.memory_space<vmem_shared>> -> memref<128x64xf32, #tpu.memory_space<vmem_shared>>
      tpu.wait_dma2 semaphore(%run_scoped3A : memref<!tpu.dma_semaphore, #tpu.memory_space<semaphore_mem>>) src(%arg16 : memref<128x64xf32, #tpu.memory_space<vmem>>) dst(%dma_wait3A_120 : memref<128x64xf32, #tpu.memory_space<vmem_shared>>)
      tpu.yield
    }) : () -> ()
    %dma_start3A = arith.constant 0 : i32
    %dma_start3A_17 = arith.constant 0 : i32
    %dma_start3A_18 = tpu.memref_slice %arg5[%dma_start3A, %dma_start3A_17] : memref<128x256xi32, #tpu.memory_space<vmem>> -> memref<1x128xi32, #tpu.memory_space<vmem>>
    %dma_start3A_19 = tpu.memref_squeeze %dma_start3A_18 : memref<1x128xi32, #tpu.memory_space<vmem>> -> memref<128xi32, #tpu.memory_space<vmem>>
    %dma_start3A_20 = arith.constant 0 : i32
    %dma_start3A_21 = arith.constant 0 : i32
    %dma_start3A_22 = tpu.memref_slice %arg3[%dma_start3A_20, %dma_start3A_21] : memref<1000000x64xf32, #tpu.memory_space<hbm>> -> memref<1000000x64xf32, #tpu.memory_space<hbm>>
    tpu.enqueue_indirect_dma source(%dma_start3A_22 : memref<1000000x64xf32, #tpu.memory_space<hbm>>) target(%arg8 : memref<128x64xf32, #tpu.memory_space<vmem>>) offsets(%dma_start3A_19 : memref<128xi32, #tpu.memory_space<vmem>>) semaphore(%arg18 : memref<!tpu.dma_semaphore, #tpu.memory_space<semaphore_mem>>)
    %dma_start3A_23 = arith.constant 1 : i32
    %dma_start3A_24 = arith.constant 0 : i32
    %dma_start3A_25 = tpu.memref_slice %arg5[%dma_start3A_23, %dma_start3A_24] : memref<128x256xi32, #tpu.memory_space<vmem>> -> memref<1x128xi32, #tpu.memory_space<vmem>>
    %dma_start3A_26 = tpu.memref_squeeze %dma_start3A_25 : memref<1x128xi32, #tpu.memory_space<vmem>> -> memref<128xi32, #tpu.memory_space<vmem>>
    %dma_start3A_27 = arith.constant 0 : i32
    %dma_start3A_28 = arith.constant 0 : i32
    %dma_start3A_29 = tpu.memref_slice %arg3[%dma_start3A_27, %dma_start3A_28] : memref<1000000x64xf32, #tpu.memory_space<hbm>> -> memref<1000000x64xf32, #tpu.memory_space<hbm>>
    tpu.enqueue_indirect_dma source(%dma_start3A_29 : memref<1000000x64xf32, #tpu.memory_space<hbm>>) target(%arg9 : memref<128x64xf32, #tpu.memory_space<vmem>>) offsets(%dma_start3A_26 : memref<128xi32, #tpu.memory_space<vmem>>) semaphore(%arg19 : memref<!tpu.dma_semaphore, #tpu.memory_space<semaphore_mem>>)
    %scan3A_30 = arith.constant 0 : i32
    %scan3A_31 = arith.constant 0 : i32
    %scan3A_32 = arith.constant 32 : i32
    %scan3A_33 = arith.addi %scan3A_31, %scan3A_32 : i32
    %scan3A_34 = arith.constant 1 : i32
    scf.for %scan3A_113 = %scan3A_31 to %scan3A_33 step %scan3A_34  : i32 {
      %mul3A_114 = arith.constant 4 : i32
      %mul3A_115 = arith.muli %mul3A_114, %scan3A_113 : i32
      %add3A_116 = arith.constant 0 : i32
      %add3A_117 = arith.addi %mul3A_115, %add3A_116 : i32
      %dma_wait3A_118 = arith.constant 0 : i32
      %dma_wait3A_119 = tpu.memref_slice %arg5[%add3A_117, %dma_wait3A_118] : memref<128x256xi32, #tpu.memory_space<vmem>> -> memref<1x128xi32, #tpu.memory_space<vmem>>
      %dma_wait3A_120 = tpu.memref_squeeze %dma_wait3A_119 : memref<1x128xi32, #tpu.memory_space<vmem>> -> memref<128xi32, #tpu.memory_space<vmem>>
      %dma_wait3A_121 = arith.constant 0 : i32
      %dma_wait3A_122 = arith.constant 0 : i32
      %dma_wait3A_123 = tpu.memref_slice %arg3[%dma_wait3A_121, %dma_wait3A_122] : memref<1000000x64xf32, #tpu.memory_space<hbm>> -> memref<1000000x64xf32, #tpu.memory_space<hbm>>
      tpu.wait_indirect_dma semaphore(%arg18 : memref<!tpu.dma_semaphore, #tpu.memory_space<semaphore_mem>>) src(%dma_wait3A_123 : memref<1000000x64xf32, #tpu.memory_space<hbm>>) dst(%arg8 : memref<128x64xf32, #tpu.memory_space<vmem>>)
      %dma_start3A_124 = arith.constant 0 : i32
      %dma_start3A_125 = tpu.memref_slice %arg6[%add3A_117, %dma_start3A_124] : memref<128x128xi32, #tpu.memory_space<vmem>> -> memref<1x128xi32, #tpu.memory_space<vmem>>
      %dma_start3A_126 = tpu.memref_squeeze %dma_start3A_125 : memref<1x128xi32, #tpu.memory_space<vmem>> -> memref<128xi32, #tpu.memory_space<vmem>>
      %dma_start3A_127 = arith.constant 0 : i32
      %dma_start3A_128 = arith.constant 0 : i32
      %dma_start3A_129 = tpu.memref_slice %arg17[%dma_start3A_127, %dma_start3A_128] : memref<2048x64xf32, #tpu.memory_space<vmem_shared>> -> memref<2048x64xf32, #tpu.memory_space<vmem_shared>>
      tpu.enqueue_indirect_dma source(%arg8 : memref<128x64xf32, #tpu.memory_space<vmem>>) target(%dma_start3A_129 : memref<2048x64xf32, #tpu.memory_space<vmem_shared>>) offsets(%dma_start3A_126 : memref<128xi32, #tpu.memory_space<vmem>>) semaphore(%arg26 : memref<!tpu.dma_semaphore, #tpu.memory_space<semaphore_mem>>) {add = true}
      %ge3A = arith.constant 2 : i32
      %ge3A_130 = arith.cmpi sge, %add3A_117, %ge3A : i32
      %convert_element_type3A = arith.extui %ge3A_130 : i1 to i32
      %cond3A = arith.constant 0 : i32
      %cond3A_131 = arith.cmpi ne, %convert_element_type3A, %cond3A : i32
      scf.if %cond3A_131 {
        %sub3A = arith.constant 2 : i32
        %sub3A_234 = arith.subi %add3A_117, %sub3A : i32
        %dma_wait3A_235 = arith.constant 0 : i32
        %dma_wait3A_236 = tpu.memref_slice %arg6[%sub3A_234, %dma_wait3A_235] : memref<128x128xi32, #tpu.memory_space<vmem>> -> memref<1x128xi32, #tpu.memory_space<vmem>>
        %dma_wait3A_237 = tpu.memref_squeeze %dma_wait3A_236 : memref<1x128xi32, #tpu.memory_space<vmem>> -> memref<128xi32, #tpu.memory_space<vmem>>
        %dma_wait3A_238 = arith.constant 0 : i32
        %dma_wait3A_239 = arith.constant 0 : i32
        %dma_wait3A_240 = tpu.memref_slice %arg17[%dma_wait3A_238, %dma_wait3A_239] : memref<2048x64xf32, #tpu.memory_space<vmem_shared>> -> memref<2048x64xf32, #tpu.memory_space<vmem_shared>>
        tpu.wait_indirect_dma semaphore(%arg28 : memref<!tpu.dma_semaphore, #tpu.memory_space<semaphore_mem>>) src(%arg10 : memref<128x64xf32, #tpu.memory_space<vmem>>) dst(%dma_wait3A_240 : memref<2048x64xf32, #tpu.memory_space<vmem_shared>>)
      } else {
      }
      %add3A_132 = arith.constant 2 : i32
      %add3A_133 = arith.addi %add3A_117, %add3A_132 : i32
      %min3A = arith.constant 127 : i32
      %min3A_134 = arith.minsi %add3A_133, %min3A : i32
      %dma_start3A_135 = arith.constant 0 : i32
      %dma_start3A_136 = tpu.memref_slice %arg5[%min3A_134, %dma_start3A_135] : memref<128x256xi32, #tpu.memory_space<vmem>> -> memref<1x128xi32, #tpu.memory_space<vmem>>
      %dma_start3A_137 = tpu.memref_squeeze %dma_start3A_136 : memref<1x128xi32, #tpu.memory_space<vmem>> -> memref<128xi32, #tpu.memory_space<vmem>>
      %dma_start3A_138 = arith.constant 0 : i32
      %dma_start3A_139 = arith.constant 0 : i32
      %dma_start3A_140 = tpu.memref_slice %arg3[%dma_start3A_138, %dma_start3A_139] : memref<1000000x64xf32, #tpu.memory_space<hbm>> -> memref<1000000x64xf32, #tpu.memory_space<hbm>>
      tpu.enqueue_indirect_dma source(%dma_start3A_140 : memref<1000000x64xf32, #tpu.memory_space<hbm>>) target(%arg10 : memref<128x64xf32, #tpu.memory_space<vmem>>) offsets(%dma_start3A_137 : memref<128xi32, #tpu.memory_space<vmem>>) semaphore(%arg20 : memref<!tpu.dma_semaphore, #tpu.memory_space<semaphore_mem>>)
      %mul3A_141 = arith.constant 4 : i32
      %mul3A_142 = arith.muli %mul3A_141, %scan3A_113 : i32
      %add3A_143 = arith.constant 1 : i32
      %add3A_144 = arith.addi %mul3A_142, %add3A_143 : i32
      %dma_wait3A_145 = arith.constant 0 : i32
      %dma_wait3A_146 = tpu.memref_slice %arg5[%add3A_144, %dma_wait3A_145] : memref<128x256xi32, #tpu.memory_space<vmem>> -> memref<1x128xi32, #tpu.memory_space<vmem>>
      %dma_wait3A_147 = tpu.memref_squeeze %dma_wait3A_146 : memref<1x128xi32, #tpu.memory_space<vmem>> -> memref<128xi32, #tpu.memory_space<vmem>>
      %dma_wait3A_148 = arith.constant 0 : i32
      %dma_wait3A_149 = arith.constant 0 : i32
      %dma_wait3A_150 = tpu.memref_slice %arg3[%dma_wait3A_148, %dma_wait3A_149] : memref<1000000x64xf32, #tpu.memory_space<hbm>> -> memref<1000000x64xf32, #tpu.memory_space<hbm>>
      tpu.wait_indirect_dma semaphore(%arg19 : memref<!tpu.dma_semaphore, #tpu.memory_space<semaphore_mem>>) src(%dma_wait3A_150 : memref<1000000x64xf32, #tpu.memory_space<hbm>>) dst(%arg9 : memref<128x64xf32, #tpu.memory_space<vmem>>)
      %dma_start3A_151 = arith.constant 0 : i32
      %dma_start3A_152 = tpu.memref_slice %arg6[%add3A_144, %dma_start3A_151] : memref<128x128xi32, #tpu.memory_space<vmem>> -> memref<1x128xi32, #tpu.memory_space<vmem>>
      %dma_start3A_153 = tpu.memref_squeeze %dma_start3A_152 : memref<1x128xi32, #tpu.memory_space<vmem>> -> memref<128xi32, #tpu.memory_space<vmem>>
      %dma_start3A_154 = arith.constant 0 : i32
      %dma_start3A_155 = arith.constant 0 : i32
      %dma_start3A_156 = tpu.memref_slice %arg17[%dma_start3A_154, %dma_start3A_155] : memref<2048x64xf32, #tpu.memory_space<vmem_shared>> -> memref<2048x64xf32, #tpu.memory_space<vmem_shared>>
      tpu.enqueue_indirect_dma source(%arg9 : memref<128x64xf32, #tpu.memory_space<vmem>>) target(%dma_start3A_156 : memref<2048x64xf32, #tpu.memory_space<vmem_shared>>) offsets(%dma_start3A_153 : memref<128xi32, #tpu.memory_space<vmem>>) semaphore(%arg27 : memref<!tpu.dma_semaphore, #tpu.memory_space<semaphore_mem>>) {add = true}
      %ge3A_157 = arith.constant 2 : i32
      %ge3A_158 = arith.cmpi sge, %add3A_144, %ge3A_157 : i32
      %convert_element_type3A_159 = arith.extui %ge3A_158 : i1 to i32
      %cond3A_160 = arith.constant 0 : i32
      %cond3A_161 = arith.cmpi ne, %convert_element_type3A_159, %cond3A_160 : i32
      scf.if %cond3A_161 {
        %sub3A = arith.constant 2 : i32
        %sub3A_234 = arith.subi %add3A_144, %sub3A : i32
        %dma_wait3A_235 = arith.constant 0 : i32
        %dma_wait3A_236 = tpu.memref_slice %arg6[%sub3A_234, %dma_wait3A_235] : memref<128x128xi32, #tpu.memory_space<vmem>> -> memref<1x128xi32, #tpu.memory_space<vmem>>
        %dma_wait3A_237 = tpu.memref_squeeze %dma_wait3A_236 : memref<1x128xi32, #tpu.memory_space<vmem>> -> memref<128xi32, #tpu.memory_space<vmem>>
        %dma_wait3A_238 = arith.constant 0 : i32
        %dma_wait3A_239 = arith.constant 0 : i32
        %dma_wait3A_240 = tpu.memref_slice %arg17[%dma_wait3A_238, %dma_wait3A_239] : memref<2048x64xf32, #tpu.memory_space<vmem_shared>> -> memref<2048x64xf32, #tpu.memory_space<vmem_shared>>
        tpu.wait_indirect_dma semaphore(%arg29 : memref<!tpu.dma_semaphore, #tpu.memory_space<semaphore_mem>>) src(%arg11 : memref<128x64xf32, #tpu.memory_space<vmem>>) dst(%dma_wait3A_240 : memref<2048x64xf32, #tpu.memory_space<vmem_shared>>)
      } else {
      }
      %add3A_162 = arith.constant 2 : i32
      %add3A_163 = arith.addi %add3A_144, %add3A_162 : i32
      %min3A_164 = arith.constant 127 : i32
      %min3A_165 = arith.minsi %add3A_163, %min3A_164 : i32
      %dma_start3A_166 = arith.constant 0 : i32
      %dma_start3A_167 = tpu.memref_slice %arg5[%min3A_165, %dma_start3A_166] : memref<128x256xi32, #tpu.memory_space<vmem>> -> memref<1x128xi32, #tpu.memory_space<vmem>>
      %dma_start3A_168 = tpu.memref_squeeze %dma_start3A_167 : memref<1x128xi32, #tpu.memory_space<vmem>> -> memref<128xi32, #tpu.memory_space<vmem>>
      %dma_start3A_169 = arith.constant 0 : i32
      %dma_start3A_170 = arith.constant 0 : i32
      %dma_start3A_171 = tpu.memref_slice %arg3[%dma_start3A_169, %dma_start3A_170] : memref<1000000x64xf32, #tpu.memory_space<hbm>> -> memref<1000000x64xf32, #tpu.memory_space<hbm>>
      tpu.enqueue_indirect_dma source(%dma_start3A_171 : memref<1000000x64xf32, #tpu.memory_space<hbm>>) target(%arg11 : memref<128x64xf32, #tpu.memory_space<vmem>>) offsets(%dma_start3A_168 : memref<128xi32, #tpu.memory_space<vmem>>) semaphore(%arg21 : memref<!tpu.dma_semaphore, #tpu.memory_space<semaphore_mem>>)
      %mul3A_172 = arith.constant 4 : i32
      %mul3A_173 = arith.muli %mul3A_172, %scan3A_113 : i32
      %add3A_174 = arith.constant 2 : i32
      %add3A_175 = arith.addi %mul3A_173, %add3A_174 : i32
      %dma_wait3A_176 = arith.constant 0 : i32
      %dma_wait3A_177 = tpu.memref_slice %arg5[%add3A_175, %dma_wait3A_176] : memref<128x256xi32, #tpu.memory_space<vmem>> -> memref<1x128xi32, #tpu.memory_space<vmem>>
      %dma_wait3A_178 = tpu.memref_squeeze %dma_wait3A_177 : memref<1x128xi32, #tpu.memory_space<vmem>> -> memref<128xi32, #tpu.memory_space<vmem>>
      %dma_wait3A_179 = arith.constant 0 : i32
      %dma_wait3A_180 = arith.constant 0 : i32
      %dma_wait3A_181 = tpu.memref_slice %arg3[%dma_wait3A_179, %dma_wait3A_180] : memref<1000000x64xf32, #tpu.memory_space<hbm>> -> memref<1000000x64xf32, #tpu.memory_space<hbm>>
      tpu.wait_indirect_dma semaphore(%arg20 : memref<!tpu.dma_semaphore, #tpu.memory_space<semaphore_mem>>) src(%dma_wait3A_181 : memref<1000000x64xf32, #tpu.memory_space<hbm>>) dst(%arg10 : memref<128x64xf32, #tpu.memory_space<vmem>>)
      %dma_start3A_182 = arith.constant 0 : i32
      %dma_start3A_183 = tpu.memref_slice %arg6[%add3A_175, %dma_start3A_182] : memref<128x128xi32, #tpu.memory_space<vmem>> -> memref<1x128xi32, #tpu.memory_space<vmem>>
      %dma_start3A_184 = tpu.memref_squeeze %dma_start3A_183 : memref<1x128xi32, #tpu.memory_space<vmem>> -> memref<128xi32, #tpu.memory_space<vmem>>
      %dma_start3A_185 = arith.constant 0 : i32
      %dma_start3A_186 = arith.constant 0 : i32
      %dma_start3A_187 = tpu.memref_slice %arg17[%dma_start3A_185, %dma_start3A_186] : memref<2048x64xf32, #tpu.memory_space<vmem_shared>> -> memref<2048x64xf32, #tpu.memory_space<vmem_shared>>
      tpu.enqueue_indirect_dma source(%arg10 : memref<128x64xf32, #tpu.memory_space<vmem>>) target(%dma_start3A_187 : memref<2048x64xf32, #tpu.memory_space<vmem_shared>>) offsets(%dma_start3A_184 : memref<128xi32, #tpu.memory_space<vmem>>) semaphore(%arg28 : memref<!tpu.dma_semaphore, #tpu.memory_space<semaphore_mem>>) {add = true}
      %ge3A_188 = arith.constant 2 : i32
      %ge3A_189 = arith.cmpi sge, %add3A_175, %ge3A_188 : i32
      %convert_element_type3A_190 = arith.extui %ge3A_189 : i1 to i32
      %cond3A_191 = arith.constant 0 : i32
      %cond3A_192 = arith.cmpi ne, %convert_element_type3A_190, %cond3A_191 : i32
      scf.if %cond3A_192 {
        %sub3A = arith.constant 2 : i32
        %sub3A_234 = arith.subi %add3A_175, %sub3A : i32
        %dma_wait3A_235 = arith.constant 0 : i32
        %dma_wait3A_236 = tpu.memref_slice %arg6[%sub3A_234, %dma_wait3A_235] : memref<128x128xi32, #tpu.memory_space<vmem>> -> memref<1x128xi32, #tpu.memory_space<vmem>>
        %dma_wait3A_237 = tpu.memref_squeeze %dma_wait3A_236 : memref<1x128xi32, #tpu.memory_space<vmem>> -> memref<128xi32, #tpu.memory_space<vmem>>
        %dma_wait3A_238 = arith.constant 0 : i32
        %dma_wait3A_239 = arith.constant 0 : i32
        %dma_wait3A_240 = tpu.memref_slice %arg17[%dma_wait3A_238, %dma_wait3A_239] : memref<2048x64xf32, #tpu.memory_space<vmem_shared>> -> memref<2048x64xf32, #tpu.memory_space<vmem_shared>>
        tpu.wait_indirect_dma semaphore(%arg26 : memref<!tpu.dma_semaphore, #tpu.memory_space<semaphore_mem>>) src(%arg8 : memref<128x64xf32, #tpu.memory_space<vmem>>) dst(%dma_wait3A_240 : memref<2048x64xf32, #tpu.memory_space<vmem_shared>>)
      } else {
      }
      %add3A_193 = arith.constant 2 : i32
      %add3A_194 = arith.addi %add3A_175, %add3A_193 : i32
      %min3A_195 = arith.constant 127 : i32
      %min3A_196 = arith.minsi %add3A_194, %min3A_195 : i32
      %dma_start3A_197 = arith.constant 0 : i32
      %dma_start3A_198 = tpu.memref_slice %arg5[%min3A_196, %dma_start3A_197] : memref<128x256xi32, #tpu.memory_space<vmem>> -> memref<1x128xi32, #tpu.memory_space<vmem>>
      %dma_start3A_199 = tpu.memref_squeeze %dma_start3A_198 : memref<1x128xi32, #tpu.memory_space<vmem>> -> memref<128xi32, #tpu.memory_space<vmem>>
      %dma_start3A_200 = arith.constant 0 : i32
      %dma_start3A_201 = arith.constant 0 : i32
      %dma_start3A_202 = tpu.memref_slice %arg3[%dma_start3A_200, %dma_start3A_201] : memref<1000000x64xf32, #tpu.memory_space<hbm>> -> memref<1000000x64xf32, #tpu.memory_space<hbm>>
      tpu.enqueue_indirect_dma source(%dma_start3A_202 : memref<1000000x64xf32, #tpu.memory_space<hbm>>) target(%arg8 : memref<128x64xf32, #tpu.memory_space<vmem>>) offsets(%dma_start3A_199 : memref<128xi32, #tpu.memory_space<vmem>>) semaphore(%arg18 : memref<!tpu.dma_semaphore, #tpu.memory_space<semaphore_mem>>)
      %mul3A_203 = arith.constant 4 : i32
      %mul3A_204 = arith.muli %mul3A_203, %scan3A_113 : i32
      %add3A_205 = arith.constant 3 : i32
      %add3A_206 = arith.addi %mul3A_204, %add3A_205 : i32
      %dma_wait3A_207 = arith.constant 0 : i32
      %dma_wait3A_208 = tpu.memref_slice %arg5[%add3A_206, %dma_wait3A_207] : memref<128x256xi32, #tpu.memory_space<vmem>> -> memref<1x128xi32, #tpu.memory_space<vmem>>
      %dma_wait3A_209 = tpu.memref_squeeze %dma_wait3A_208 : memref<1x128xi32, #tpu.memory_space<vmem>> -> memref<128xi32, #tpu.memory_space<vmem>>
      %dma_wait3A_210 = arith.constant 0 : i32
      %dma_wait3A_211 = arith.constant 0 : i32
      %dma_wait3A_212 = tpu.memref_slice %arg3[%dma_wait3A_210, %dma_wait3A_211] : memref<1000000x64xf32, #tpu.memory_space<hbm>> -> memref<1000000x64xf32, #tpu.memory_space<hbm>>
      tpu.wait_indirect_dma semaphore(%arg21 : memref<!tpu.dma_semaphore, #tpu.memory_space<semaphore_mem>>) src(%dma_wait3A_212 : memref<1000000x64xf32, #tpu.memory_space<hbm>>) dst(%arg11 : memref<128x64xf32, #tpu.memory_space<vmem>>)
      %dma_start3A_213 = arith.constant 0 : i32
      %dma_start3A_214 = tpu.memref_slice %arg6[%add3A_206, %dma_start3A_213] : memref<128x128xi32, #tpu.memory_space<vmem>> -> memref<1x128xi32, #tpu.memory_space<vmem>>
      %dma_start3A_215 = tpu.memref_squeeze %dma_start3A_214 : memref<1x128xi32, #tpu.memory_space<vmem>> -> memref<128xi32, #tpu.memory_space<vmem>>
      %dma_start3A_216 = arith.constant 0 : i32
      %dma_start3A_217 = arith.constant 0 : i32
      %dma_start3A_218 = tpu.memref_slice %arg17[%dma_start3A_216, %dma_start3A_217] : memref<2048x64xf32, #tpu.memory_space<vmem_shared>> -> memref<2048x64xf32, #tpu.memory_space<vmem_shared>>
      tpu.enqueue_indirect_dma source(%arg11 : memref<128x64xf32, #tpu.memory_space<vmem>>) target(%dma_start3A_218 : memref<2048x64xf32, #tpu.memory_space<vmem_shared>>) offsets(%dma_start3A_215 : memref<128xi32, #tpu.memory_space<vmem>>) semaphore(%arg29 : memref<!tpu.dma_semaphore, #tpu.memory_space<semaphore_mem>>) {add = true}
      %ge3A_219 = arith.constant 2 : i32
      %ge3A_220 = arith.cmpi sge, %add3A_206, %ge3A_219 : i32
      %convert_element_type3A_221 = arith.extui %ge3A_220 : i1 to i32
      %cond3A_222 = arith.constant 0 : i32
      %cond3A_223 = arith.cmpi ne, %convert_element_type3A_221, %cond3A_222 : i32
      scf.if %cond3A_223 {
        %sub3A = arith.constant 2 : i32
        %sub3A_234 = arith.subi %add3A_206, %sub3A : i32
        %dma_wait3A_235 = arith.constant 0 : i32
        %dma_wait3A_236 = tpu.memref_slice %arg6[%sub3A_234, %dma_wait3A_235] : memref<128x128xi32, #tpu.memory_space<vmem>> -> memref<1x128xi32, #tpu.memory_space<vmem>>
        %dma_wait3A_237 = tpu.memref_squeeze %dma_wait3A_236 : memref<1x128xi32, #tpu.memory_space<vmem>> -> memref<128xi32, #tpu.memory_space<vmem>>
        %dma_wait3A_238 = arith.constant 0 : i32
        %dma_wait3A_239 = arith.constant 0 : i32
        %dma_wait3A_240 = tpu.memref_slice %arg17[%dma_wait3A_238, %dma_wait3A_239] : memref<2048x64xf32, #tpu.memory_space<vmem_shared>> -> memref<2048x64xf32, #tpu.memory_space<vmem_shared>>
        tpu.wait_indirect_dma semaphore(%arg27 : memref<!tpu.dma_semaphore, #tpu.memory_space<semaphore_mem>>) src(%arg9 : memref<128x64xf32, #tpu.memory_space<vmem>>) dst(%dma_wait3A_240 : memref<2048x64xf32, #tpu.memory_space<vmem_shared>>)
      } else {
      }
      %add3A_224 = arith.constant 2 : i32
      %add3A_225 = arith.addi %add3A_206, %add3A_224 : i32
      %min3A_226 = arith.constant 127 : i32
      %min3A_227 = arith.minsi %add3A_225, %min3A_226 : i32
      %dma_start3A_228 = arith.constant 0 : i32
      %dma_start3A_229 = tpu.memref_slice %arg5[%min3A_227, %dma_start3A_228] : memref<128x256xi32, #tpu.memory_space<vmem>> -> memref<1x128xi32, #tpu.memory_space<vmem>>
      %dma_start3A_230 = tpu.memref_squeeze %dma_start3A_229 : memref<1x128xi32, #tpu.memory_space<vmem>> -> memref<128xi32, #tpu.memory_space<vmem>>
      %dma_start3A_231 = arith.constant 0 : i32
      %dma_start3A_232 = arith.constant 0 : i32
      %dma_start3A_233 = tpu.memref_slice %arg3[%dma_start3A_231, %dma_start3A_232] : memref<1000000x64xf32, #tpu.memory_space<hbm>> -> memref<1000000x64xf32, #tpu.memory_space<hbm>>
      tpu.enqueue_indirect_dma source(%dma_start3A_233 : memref<1000000x64xf32, #tpu.memory_space<hbm>>) target(%arg9 : memref<128x64xf32, #tpu.memory_space<vmem>>) offsets(%dma_start3A_230 : memref<128xi32, #tpu.memory_space<vmem>>) semaphore(%arg19 : memref<!tpu.dma_semaphore, #tpu.memory_space<semaphore_mem>>)
    }
    %scan3A_35 = arith.constant 32 : i32
    %dma_wait3A = arith.constant 126 : i32
    %dma_wait3A_36 = arith.constant 0 : i32
    %dma_wait3A_37 = tpu.memref_slice %arg6[%dma_wait3A, %dma_wait3A_36] : memref<128x128xi32, #tpu.memory_space<vmem>> -> memref<1x128xi32, #tpu.memory_space<vmem>>
    %dma_wait3A_38 = tpu.memref_squeeze %dma_wait3A_37 : memref<1x128xi32, #tpu.memory_space<vmem>> -> memref<128xi32, #tpu.memory_space<vmem>>
    %dma_wait3A_39 = arith.constant 0 : i32
    %dma_wait3A_40 = arith.constant 0 : i32
    %dma_wait3A_41 = tpu.memref_slice %arg17[%dma_wait3A_39, %dma_wait3A_40] : memref<2048x64xf32, #tpu.memory_space<vmem_shared>> -> memref<2048x64xf32, #tpu.memory_space<vmem_shared>>
    tpu.wait_indirect_dma semaphore(%arg28 : memref<!tpu.dma_semaphore, #tpu.memory_space<semaphore_mem>>) src(%arg10 : memref<128x64xf32, #tpu.memory_space<vmem>>) dst(%dma_wait3A_41 : memref<2048x64xf32, #tpu.memory_space<vmem_shared>>)
    %dma_wait3A_42 = arith.constant 127 : i32
    %dma_wait3A_43 = arith.constant 0 : i32
    %dma_wait3A_44 = tpu.memref_slice %arg6[%dma_wait3A_42, %dma_wait3A_43] : memref<128x128xi32, #tpu.memory_space<vmem>> -> memref<1x128xi32, #tpu.memory_space<vmem>>
    %dma_wait3A_45 = tpu.memref_squeeze %dma_wait3A_44 : memref<1x128xi32, #tpu.memory_space<vmem>> -> memref<128xi32, #tpu.memory_space<vmem>>
    %dma_wait3A_46 = arith.constant 0 : i32
    %dma_wait3A_47 = arith.constant 0 : i32
    %dma_wait3A_48 = tpu.memref_slice %arg17[%dma_wait3A_46, %dma_wait3A_47] : memref<2048x64xf32, #tpu.memory_space<vmem_shared>> -> memref<2048x64xf32, #tpu.memory_space<vmem_shared>>
    tpu.wait_indirect_dma semaphore(%arg29 : memref<!tpu.dma_semaphore, #tpu.memory_space<semaphore_mem>>) src(%arg11 : memref<128x64xf32, #tpu.memory_space<vmem>>) dst(%dma_wait3A_48 : memref<2048x64xf32, #tpu.memory_space<vmem_shared>>)
    %dma_wait3A_49 = arith.constant 127 : i32
    %dma_wait3A_50 = arith.constant 0 : i32
    %dma_wait3A_51 = tpu.memref_slice %arg5[%dma_wait3A_49, %dma_wait3A_50] : memref<128x256xi32, #tpu.memory_space<vmem>> -> memref<1x128xi32, #tpu.memory_space<vmem>>
    %dma_wait3A_52 = tpu.memref_squeeze %dma_wait3A_51 : memref<1x128xi32, #tpu.memory_space<vmem>> -> memref<128xi32, #tpu.memory_space<vmem>>
    %dma_wait3A_53 = arith.constant 0 : i32
    %dma_wait3A_54 = arith.constant 0 : i32
    %dma_wait3A_55 = tpu.memref_slice %arg3[%dma_wait3A_53, %dma_wait3A_54] : memref<1000000x64xf32, #tpu.memory_space<hbm>> -> memref<1000000x64xf32, #tpu.memory_space<hbm>>
    tpu.wait_indirect_dma semaphore(%arg18 : memref<!tpu.dma_semaphore, #tpu.memory_space<semaphore_mem>>) src(%dma_wait3A_55 : memref<1000000x64xf32, #tpu.memory_space<hbm>>) dst(%arg8 : memref<128x64xf32, #tpu.memory_space<vmem>>)
    %dma_wait3A_56 = arith.constant 127 : i32
    %dma_wait3A_57 = arith.constant 0 : i32
    %dma_wait3A_58 = tpu.memref_slice %arg5[%dma_wait3A_56, %dma_wait3A_57] : memref<128x256xi32, #tpu.memory_space<vmem>> -> memref<1x128xi32, #tpu.memory_space<vmem>>
    %dma_wait3A_59 = tpu.memref_squeeze %dma_wait3A_58 : memref<1x128xi32, #tpu.memory_space<vmem>> -> memref<128xi32, #tpu.memory_space<vmem>>
    %dma_wait3A_60 = arith.constant 0 : i32
    %dma_wait3A_61 = arith.constant 0 : i32
    %dma_wait3A_62 = tpu.memref_slice %arg3[%dma_wait3A_60, %dma_wait3A_61] : memref<1000000x64xf32, #tpu.memory_space<hbm>> -> memref<1000000x64xf32, #tpu.memory_space<hbm>>
    tpu.wait_indirect_dma semaphore(%arg19 : memref<!tpu.dma_semaphore, #tpu.memory_space<semaphore_mem>>) src(%dma_wait3A_62 : memref<1000000x64xf32, #tpu.memory_space<hbm>>) dst(%arg9 : memref<128x64xf32, #tpu.memory_space<vmem>>)
    %dma_start3A_63 = arith.constant 0 : i32
    %dma_start3A_64 = arith.constant 128 : i32
    %dma_start3A_65 = tpu.memref_slice %arg5[%dma_start3A_63, %dma_start3A_64] : memref<128x256xi32, #tpu.memory_space<vmem>> -> memref<1x72xi32, #tpu.memory_space<vmem>>
    %dma_start3A_66 = tpu.memref_squeeze %dma_start3A_65 : memref<1x72xi32, #tpu.memory_space<vmem>> -> memref<72xi32, #tpu.memory_space<vmem>>
    %dma_start3A_67 = arith.constant 0 : i32
    %dma_start3A_68 = arith.constant 0 : i32
    %dma_start3A_69 = tpu.memref_slice %arg3[%dma_start3A_67, %dma_start3A_68] : memref<1000000x64xf32, #tpu.memory_space<hbm>> -> memref<1000000x64xf32, #tpu.memory_space<hbm>>
    tpu.enqueue_indirect_dma source(%dma_start3A_69 : memref<1000000x64xf32, #tpu.memory_space<hbm>>) target(%arg12 : memref<72x64xf32, #tpu.memory_space<vmem>>) offsets(%dma_start3A_66 : memref<72xi32, #tpu.memory_space<vmem>>) semaphore(%arg22 : memref<!tpu.dma_semaphore, #tpu.memory_space<semaphore_mem>>)
    %dma_start3A_70 = arith.constant 1 : i32
    %dma_start3A_71 = arith.constant 128 : i32
    %dma_start3A_72 = tpu.memref_slice %arg5[%dma_start3A_70, %dma_start3A_71] : memref<128x256xi32, #tpu.memory_space<vmem>> -> memref<1x72xi32, #tpu.memory_space<vmem>>
    %dma_start3A_73 = tpu.memref_squeeze %dma_start3A_72 : memref<1x72xi32, #tpu.memory_space<vmem>> -> memref<72xi32, #tpu.memory_space<vmem>>
    %dma_start3A_74 = arith.constant 0 : i32
    %dma_start3A_75 = arith.constant 0 : i32
    %dma_start3A_76 = tpu.memref_slice %arg3[%dma_start3A_74, %dma_start3A_75] : memref<1000000x64xf32, #tpu.memory_space<hbm>> -> memref<1000000x64xf32, #tpu.memory_space<hbm>>
    tpu.enqueue_indirect_dma source(%dma_start3A_76 : memref<1000000x64xf32, #tpu.memory_space<hbm>>) target(%arg13 : memref<72x64xf32, #tpu.memory_space<vmem>>) offsets(%dma_start3A_73 : memref<72xi32, #tpu.memory_space<vmem>>) semaphore(%arg23 : memref<!tpu.dma_semaphore, #tpu.memory_space<semaphore_mem>>)
    %scan3A_77 = arith.constant 0 : i32
    %scan3A_78 = arith.constant 0 : i32
    %scan3A_79 = arith.constant 32 : i32
    %scan3A_80 = arith.addi %scan3A_78, %scan3A_79 : i32
    %scan3A_81 = arith.constant 1 : i32
    scf.for %scan3A_113 = %scan3A_78 to %scan3A_80 step %scan3A_81  : i32 {
      %mul3A_114 = arith.constant 4 : i32
      %mul3A_115 = arith.muli %mul3A_114, %scan3A_113 : i32
      %add3A_116 = arith.constant 0 : i32
      %add3A_117 = arith.addi %mul3A_115, %add3A_116 : i32
      %dma_wait3A_118 = arith.constant 128 : i32
      %dma_wait3A_119 = tpu.memref_slice %arg5[%add3A_117, %dma_wait3A_118] : memref<128x256xi32, #tpu.memory_space<vmem>> -> memref<1x72xi32, #tpu.memory_space<vmem>>
      %dma_wait3A_120 = tpu.memref_squeeze %dma_wait3A_119 : memref<1x72xi32, #tpu.memory_space<vmem>> -> memref<72xi32, #tpu.memory_space<vmem>>
      %dma_wait3A_121 = arith.constant 0 : i32
      %dma_wait3A_122 = arith.constant 0 : i32
      %dma_wait3A_123 = tpu.memref_slice %arg3[%dma_wait3A_121, %dma_wait3A_122] : memref<1000000x64xf32, #tpu.memory_space<hbm>> -> memref<1000000x64xf32, #tpu.memory_space<hbm>>
      tpu.wait_indirect_dma semaphore(%arg22 : memref<!tpu.dma_semaphore, #tpu.memory_space<semaphore_mem>>) src(%dma_wait3A_123 : memref<1000000x64xf32, #tpu.memory_space<hbm>>) dst(%arg12 : memref<72x64xf32, #tpu.memory_space<vmem>>)
      %dma_start3A_124 = arith.constant 0 : i32
      %dma_start3A_125 = tpu.memref_slice %arg7[%add3A_117, %dma_start3A_124] : memref<128x72xi32, #tpu.memory_space<vmem>> -> memref<1x72xi32, #tpu.memory_space<vmem>>
      %dma_start3A_126 = tpu.memref_squeeze %dma_start3A_125 : memref<1x72xi32, #tpu.memory_space<vmem>> -> memref<72xi32, #tpu.memory_space<vmem>>
      %dma_start3A_127 = arith.constant 0 : i32
      %dma_start3A_128 = arith.constant 0 : i32
      %dma_start3A_129 = tpu.memref_slice %arg17[%dma_start3A_127, %dma_start3A_128] : memref<2048x64xf32, #tpu.memory_space<vmem_shared>> -> memref<2048x64xf32, #tpu.memory_space<vmem_shared>>
      tpu.enqueue_indirect_dma source(%arg12 : memref<72x64xf32, #tpu.memory_space<vmem>>) target(%dma_start3A_129 : memref<2048x64xf32, #tpu.memory_space<vmem_shared>>) offsets(%dma_start3A_126 : memref<72xi32, #tpu.memory_space<vmem>>) semaphore(%arg30 : memref<!tpu.dma_semaphore, #tpu.memory_space<semaphore_mem>>) {add = true}
      %ge3A = arith.constant 2 : i32
      %ge3A_130 = arith.cmpi sge, %add3A_117, %ge3A : i32
      %convert_element_type3A = arith.extui %ge3A_130 : i1 to i32
      %cond3A = arith.constant 0 : i32
      %cond3A_131 = arith.cmpi ne, %convert_element_type3A, %cond3A : i32
      scf.if %cond3A_131 {
        %sub3A = arith.constant 2 : i32
        %sub3A_234 = arith.subi %add3A_117, %sub3A : i32
        %dma_wait3A_235 = arith.constant 0 : i32
        %dma_wait3A_236 = tpu.memref_slice %arg7[%sub3A_234, %dma_wait3A_235] : memref<128x72xi32, #tpu.memory_space<vmem>> -> memref<1x72xi32, #tpu.memory_space<vmem>>
        %dma_wait3A_237 = tpu.memref_squeeze %dma_wait3A_236 : memref<1x72xi32, #tpu.memory_space<vmem>> -> memref<72xi32, #tpu.memory_space<vmem>>
        %dma_wait3A_238 = arith.constant 0 : i32
        %dma_wait3A_239 = arith.constant 0 : i32
        %dma_wait3A_240 = tpu.memref_slice %arg17[%dma_wait3A_238, %dma_wait3A_239] : memref<2048x64xf32, #tpu.memory_space<vmem_shared>> -> memref<2048x64xf32, #tpu.memory_space<vmem_shared>>
        tpu.wait_indirect_dma semaphore(%arg32 : memref<!tpu.dma_semaphore, #tpu.memory_space<semaphore_mem>>) src(%arg14 : memref<72x64xf32, #tpu.memory_space<vmem>>) dst(%dma_wait3A_240 : memref<2048x64xf32, #tpu.memory_space<vmem_shared>>)
      } else {
      }
      %add3A_132 = arith.constant 2 : i32
      %add3A_133 = arith.addi %add3A_117, %add3A_132 : i32
      %min3A = arith.constant 127 : i32
      %min3A_134 = arith.minsi %add3A_133, %min3A : i32
      %dma_start3A_135 = arith.constant 128 : i32
      %dma_start3A_136 = tpu.memref_slice %arg5[%min3A_134, %dma_start3A_135] : memref<128x256xi32, #tpu.memory_space<vmem>> -> memref<1x72xi32, #tpu.memory_space<vmem>>
      %dma_start3A_137 = tpu.memref_squeeze %dma_start3A_136 : memref<1x72xi32, #tpu.memory_space<vmem>> -> memref<72xi32, #tpu.memory_space<vmem>>
      %dma_start3A_138 = arith.constant 0 : i32
      %dma_start3A_139 = arith.constant 0 : i32
      %dma_start3A_140 = tpu.memref_slice %arg3[%dma_start3A_138, %dma_start3A_139] : memref<1000000x64xf32, #tpu.memory_space<hbm>> -> memref<1000000x64xf32, #tpu.memory_space<hbm>>
      tpu.enqueue_indirect_dma source(%dma_start3A_140 : memref<1000000x64xf32, #tpu.memory_space<hbm>>) target(%arg14 : memref<72x64xf32, #tpu.memory_space<vmem>>) offsets(%dma_start3A_137 : memref<72xi32, #tpu.memory_space<vmem>>) semaphore(%arg24 : memref<!tpu.dma_semaphore, #tpu.memory_space<semaphore_mem>>)
      %mul3A_141 = arith.constant 4 : i32
      %mul3A_142 = arith.muli %mul3A_141, %scan3A_113 : i32
      %add3A_143 = arith.constant 1 : i32
      %add3A_144 = arith.addi %mul3A_142, %add3A_143 : i32
      %dma_wait3A_145 = arith.constant 128 : i32
      %dma_wait3A_146 = tpu.memref_slice %arg5[%add3A_144, %dma_wait3A_145] : memref<128x256xi32, #tpu.memory_space<vmem>> -> memref<1x72xi32, #tpu.memory_space<vmem>>
      %dma_wait3A_147 = tpu.memref_squeeze %dma_wait3A_146 : memref<1x72xi32, #tpu.memory_space<vmem>> -> memref<72xi32, #tpu.memory_space<vmem>>
      %dma_wait3A_148 = arith.constant 0 : i32
      %dma_wait3A_149 = arith.constant 0 : i32
      %dma_wait3A_150 = tpu.memref_slice %arg3[%dma_wait3A_148, %dma_wait3A_149] : memref<1000000x64xf32, #tpu.memory_space<hbm>> -> memref<1000000x64xf32, #tpu.memory_space<hbm>>
      tpu.wait_indirect_dma semaphore(%arg23 : memref<!tpu.dma_semaphore, #tpu.memory_space<semaphore_mem>>) src(%dma_wait3A_150 : memref<1000000x64xf32, #tpu.memory_space<hbm>>) dst(%arg13 : memref<72x64xf32, #tpu.memory_space<vmem>>)
      %dma_start3A_151 = arith.constant 0 : i32
      %dma_start3A_152 = tpu.memref_slice %arg7[%add3A_144, %dma_start3A_151] : memref<128x72xi32, #tpu.memory_space<vmem>> -> memref<1x72xi32, #tpu.memory_space<vmem>>
      %dma_start3A_153 = tpu.memref_squeeze %dma_start3A_152 : memref<1x72xi32, #tpu.memory_space<vmem>> -> memref<72xi32, #tpu.memory_space<vmem>>
      %dma_start3A_154 = arith.constant 0 : i32
      %dma_start3A_155 = arith.constant 0 : i32
      %dma_start3A_156 = tpu.memref_slice %arg17[%dma_start3A_154, %dma_start3A_155] : memref<2048x64xf32, #tpu.memory_space<vmem_shared>> -> memref<2048x64xf32, #tpu.memory_space<vmem_shared>>
      tpu.enqueue_indirect_dma source(%arg13 : memref<72x64xf32, #tpu.memory_space<vmem>>) target(%dma_start3A_156 : memref<2048x64xf32, #tpu.memory_space<vmem_shared>>) offsets(%dma_start3A_153 : memref<72xi32, #tpu.memory_space<vmem>>) semaphore(%arg31 : memref<!tpu.dma_semaphore, #tpu.memory_space<semaphore_mem>>) {add = true}
      %ge3A_157 = arith.constant 2 : i32
      %ge3A_158 = arith.cmpi sge, %add3A_144, %ge3A_157 : i32
      %convert_element_type3A_159 = arith.extui %ge3A_158 : i1 to i32
      %cond3A_160 = arith.constant 0 : i32
      %cond3A_161 = arith.cmpi ne, %convert_element_type3A_159, %cond3A_160 : i32
      scf.if %cond3A_161 {
        %sub3A = arith.constant 2 : i32
        %sub3A_234 = arith.subi %add3A_144, %sub3A : i32
        %dma_wait3A_235 = arith.constant 0 : i32
        %dma_wait3A_236 = tpu.memref_slice %arg7[%sub3A_234, %dma_wait3A_235] : memref<128x72xi32, #tpu.memory_space<vmem>> -> memref<1x72xi32, #tpu.memory_space<vmem>>
        %dma_wait3A_237 = tpu.memref_squeeze %dma_wait3A_236 : memref<1x72xi32, #tpu.memory_space<vmem>> -> memref<72xi32, #tpu.memory_space<vmem>>
        %dma_wait3A_238 = arith.constant 0 : i32
        %dma_wait3A_239 = arith.constant 0 : i32
        %dma_wait3A_240 = tpu.memref_slice %arg17[%dma_wait3A_238, %dma_wait3A_239] : memref<2048x64xf32, #tpu.memory_space<vmem_shared>> -> memref<2048x64xf32, #tpu.memory_space<vmem_shared>>
        tpu.wait_indirect_dma semaphore(%arg33 : memref<!tpu.dma_semaphore, #tpu.memory_space<semaphore_mem>>) src(%arg15 : memref<72x64xf32, #tpu.memory_space<vmem>>) dst(%dma_wait3A_240 : memref<2048x64xf32, #tpu.memory_space<vmem_shared>>)
      } else {
      }
      %add3A_162 = arith.constant 2 : i32
      %add3A_163 = arith.addi %add3A_144, %add3A_162 : i32
      %min3A_164 = arith.constant 127 : i32
      %min3A_165 = arith.minsi %add3A_163, %min3A_164 : i32
      %dma_start3A_166 = arith.constant 128 : i32
      %dma_start3A_167 = tpu.memref_slice %arg5[%min3A_165, %dma_start3A_166] : memref<128x256xi32, #tpu.memory_space<vmem>> -> memref<1x72xi32, #tpu.memory_space<vmem>>
      %dma_start3A_168 = tpu.memref_squeeze %dma_start3A_167 : memref<1x72xi32, #tpu.memory_space<vmem>> -> memref<72xi32, #tpu.memory_space<vmem>>
      %dma_start3A_169 = arith.constant 0 : i32
      %dma_start3A_170 = arith.constant 0 : i32
      %dma_start3A_171 = tpu.memref_slice %arg3[%dma_start3A_169, %dma_start3A_170] : memref<1000000x64xf32, #tpu.memory_space<hbm>> -> memref<1000000x64xf32, #tpu.memory_space<hbm>>
      tpu.enqueue_indirect_dma source(%dma_start3A_171 : memref<1000000x64xf32, #tpu.memory_space<hbm>>) target(%arg15 : memref<72x64xf32, #tpu.memory_space<vmem>>) offsets(%dma_start3A_168 : memref<72xi32, #tpu.memory_space<vmem>>) semaphore(%arg25 : memref<!tpu.dma_semaphore, #tpu.memory_space<semaphore_mem>>)
      %mul3A_172 = arith.constant 4 : i32
      %mul3A_173 = arith.muli %mul3A_172, %scan3A_113 : i32
      %add3A_174 = arith.constant 2 : i32
      %add3A_175 = arith.addi %mul3A_173, %add3A_174 : i32
      %dma_wait3A_176 = arith.constant 128 : i32
      %dma_wait3A_177 = tpu.memref_slice %arg5[%add3A_175, %dma_wait3A_176] : memref<128x256xi32, #tpu.memory_space<vmem>> -> memref<1x72xi32, #tpu.memory_space<vmem>>
      %dma_wait3A_178 = tpu.memref_squeeze %dma_wait3A_177 : memref<1x72xi32, #tpu.memory_space<vmem>> -> memref<72xi32, #tpu.memory_space<vmem>>
      %dma_wait3A_179 = arith.constant 0 : i32
      %dma_wait3A_180 = arith.constant 0 : i32
      %dma_wait3A_181 = tpu.memref_slice %arg3[%dma_wait3A_179, %dma_wait3A_180] : memref<1000000x64xf32, #tpu.memory_space<hbm>> -> memref<1000000x64xf32, #tpu.memory_space<hbm>>
      tpu.wait_indirect_dma semaphore(%arg24 : memref<!tpu.dma_semaphore, #tpu.memory_space<semaphore_mem>>) src(%dma_wait3A_181 : memref<1000000x64xf32, #tpu.memory_space<hbm>>) dst(%arg14 : memref<72x64xf32, #tpu.memory_space<vmem>>)
      %dma_start3A_182 = arith.constant 0 : i32
      %dma_start3A_183 = tpu.memref_slice %arg7[%add3A_175, %dma_start3A_182] : memref<128x72xi32, #tpu.memory_space<vmem>> -> memref<1x72xi32, #tpu.memory_space<vmem>>
      %dma_start3A_184 = tpu.memref_squeeze %dma_start3A_183 : memref<1x72xi32, #tpu.memory_space<vmem>> -> memref<72xi32, #tpu.memory_space<vmem>>
      %dma_start3A_185 = arith.constant 0 : i32
      %dma_start3A_186 = arith.constant 0 : i32
      %dma_start3A_187 = tpu.memref_slice %arg17[%dma_start3A_185, %dma_start3A_186] : memref<2048x64xf32, #tpu.memory_space<vmem_shared>> -> memref<2048x64xf32, #tpu.memory_space<vmem_shared>>
      tpu.enqueue_indirect_dma source(%arg14 : memref<72x64xf32, #tpu.memory_space<vmem>>) target(%dma_start3A_187 : memref<2048x64xf32, #tpu.memory_space<vmem_shared>>) offsets(%dma_start3A_184 : memref<72xi32, #tpu.memory_space<vmem>>) semaphore(%arg32 : memref<!tpu.dma_semaphore, #tpu.memory_space<semaphore_mem>>) {add = true}
      %ge3A_188 = arith.constant 2 : i32
      %ge3A_189 = arith.cmpi sge, %add3A_175, %ge3A_188 : i32
      %convert_element_type3A_190 = arith.extui %ge3A_189 : i1 to i32
      %cond3A_191 = arith.constant 0 : i32
      %cond3A_192 = arith.cmpi ne, %convert_element_type3A_190, %cond3A_191 : i32
      scf.if %cond3A_192 {
        %sub3A = arith.constant 2 : i32
        %sub3A_234 = arith.subi %add3A_175, %sub3A : i32
        %dma_wait3A_235 = arith.constant 0 : i32
        %dma_wait3A_236 = tpu.memref_slice %arg7[%sub3A_234, %dma_wait3A_235] : memref<128x72xi32, #tpu.memory_space<vmem>> -> memref<1x72xi32, #tpu.memory_space<vmem>>
        %dma_wait3A_237 = tpu.memref_squeeze %dma_wait3A_236 : memref<1x72xi32, #tpu.memory_space<vmem>> -> memref<72xi32, #tpu.memory_space<vmem>>
        %dma_wait3A_238 = arith.constant 0 : i32
        %dma_wait3A_239 = arith.constant 0 : i32
        %dma_wait3A_240 = tpu.memref_slice %arg17[%dma_wait3A_238, %dma_wait3A_239] : memref<2048x64xf32, #tpu.memory_space<vmem_shared>> -> memref<2048x64xf32, #tpu.memory_space<vmem_shared>>
        tpu.wait_indirect_dma semaphore(%arg30 : memref<!tpu.dma_semaphore, #tpu.memory_space<semaphore_mem>>) src(%arg12 : memref<72x64xf32, #tpu.memory_space<vmem>>) dst(%dma_wait3A_240 : memref<2048x64xf32, #tpu.memory_space<vmem_shared>>)
      } else {
      }
      %add3A_193 = arith.constant 2 : i32
      %add3A_194 = arith.addi %add3A_175, %add3A_193 : i32
      %min3A_195 = arith.constant 127 : i32
      %min3A_196 = arith.minsi %add3A_194, %min3A_195 : i32
      %dma_start3A_197 = arith.constant 128 : i32
      %dma_start3A_198 = tpu.memref_slice %arg5[%min3A_196, %dma_start3A_197] : memref<128x256xi32, #tpu.memory_space<vmem>> -> memref<1x72xi32, #tpu.memory_space<vmem>>
      %dma_start3A_199 = tpu.memref_squeeze %dma_start3A_198 : memref<1x72xi32, #tpu.memory_space<vmem>> -> memref<72xi32, #tpu.memory_space<vmem>>
      %dma_start3A_200 = arith.constant 0 : i32
      %dma_start3A_201 = arith.constant 0 : i32
      %dma_start3A_202 = tpu.memref_slice %arg3[%dma_start3A_200, %dma_start3A_201] : memref<1000000x64xf32, #tpu.memory_space<hbm>> -> memref<1000000x64xf32, #tpu.memory_space<hbm>>
      tpu.enqueue_indirect_dma source(%dma_start3A_202 : memref<1000000x64xf32, #tpu.memory_space<hbm>>) target(%arg12 : memref<72x64xf32, #tpu.memory_space<vmem>>) offsets(%dma_start3A_199 : memref<72xi32, #tpu.memory_space<vmem>>) semaphore(%arg22 : memref<!tpu.dma_semaphore, #tpu.memory_space<semaphore_mem>>)
      %mul3A_203 = arith.constant 4 : i32
      %mul3A_204 = arith.muli %mul3A_203, %scan3A_113 : i32
      %add3A_205 = arith.constant 3 : i32
      %add3A_206 = arith.addi %mul3A_204, %add3A_205 : i32
      %dma_wait3A_207 = arith.constant 128 : i32
      %dma_wait3A_208 = tpu.memref_slice %arg5[%add3A_206, %dma_wait3A_207] : memref<128x256xi32, #tpu.memory_space<vmem>> -> memref<1x72xi32, #tpu.memory_space<vmem>>
      %dma_wait3A_209 = tpu.memref_squeeze %dma_wait3A_208 : memref<1x72xi32, #tpu.memory_space<vmem>> -> memref<72xi32, #tpu.memory_space<vmem>>
      %dma_wait3A_210 = arith.constant 0 : i32
      %dma_wait3A_211 = arith.constant 0 : i32
      %dma_wait3A_212 = tpu.memref_slice %arg3[%dma_wait3A_210, %dma_wait3A_211] : memref<1000000x64xf32, #tpu.memory_space<hbm>> -> memref<1000000x64xf32, #tpu.memory_space<hbm>>
      tpu.wait_indirect_dma semaphore(%arg25 : memref<!tpu.dma_semaphore, #tpu.memory_space<semaphore_mem>>) src(%dma_wait3A_212 : memref<1000000x64xf32, #tpu.memory_space<hbm>>) dst(%arg15 : memref<72x64xf32, #tpu.memory_space<vmem>>)
      %dma_start3A_213 = arith.constant 0 : i32
      %dma_start3A_214 = tpu.memref_slice %arg7[%add3A_206, %dma_start3A_213] : memref<128x72xi32, #tpu.memory_space<vmem>> -> memref<1x72xi32, #tpu.memory_space<vmem>>
      %dma_start3A_215 = tpu.memref_squeeze %dma_start3A_214 : memref<1x72xi32, #tpu.memory_space<vmem>> -> memref<72xi32, #tpu.memory_space<vmem>>
      %dma_start3A_216 = arith.constant 0 : i32
      %dma_start3A_217 = arith.constant 0 : i32
      %dma_start3A_218 = tpu.memref_slice %arg17[%dma_start3A_216, %dma_start3A_217] : memref<2048x64xf32, #tpu.memory_space<vmem_shared>> -> memref<2048x64xf32, #tpu.memory_space<vmem_shared>>
      tpu.enqueue_indirect_dma source(%arg15 : memref<72x64xf32, #tpu.memory_space<vmem>>) target(%dma_start3A_218 : memref<2048x64xf32, #tpu.memory_space<vmem_shared>>) offsets(%dma_start3A_215 : memref<72xi32, #tpu.memory_space<vmem>>) semaphore(%arg33 : memref<!tpu.dma_semaphore, #tpu.memory_space<semaphore_mem>>) {add = true}
      %ge3A_219 = arith.constant 2 : i32
      %ge3A_220 = arith.cmpi sge, %add3A_206, %ge3A_219 : i32
      %convert_element_type3A_221 = arith.extui %ge3A_220 : i1 to i32
      %cond3A_222 = arith.constant 0 : i32
      %cond3A_223 = arith.cmpi ne, %convert_element_type3A_221, %cond3A_222 : i32
      scf.if %cond3A_223 {
        %sub3A = arith.constant 2 : i32
        %sub3A_234 = arith.subi %add3A_206, %sub3A : i32
        %dma_wait3A_235 = arith.constant 0 : i32
        %dma_wait3A_236 = tpu.memref_slice %arg7[%sub3A_234, %dma_wait3A_235] : memref<128x72xi32, #tpu.memory_space<vmem>> -> memref<1x72xi32, #tpu.memory_space<vmem>>
        %dma_wait3A_237 = tpu.memref_squeeze %dma_wait3A_236 : memref<1x72xi32, #tpu.memory_space<vmem>> -> memref<72xi32, #tpu.memory_space<vmem>>
        %dma_wait3A_238 = arith.constant 0 : i32
        %dma_wait3A_239 = arith.constant 0 : i32
        %dma_wait3A_240 = tpu.memref_slice %arg17[%dma_wait3A_238, %dma_wait3A_239] : memref<2048x64xf32, #tpu.memory_space<vmem_shared>> -> memref<2048x64xf32, #tpu.memory_space<vmem_shared>>
        tpu.wait_indirect_dma semaphore(%arg31 : memref<!tpu.dma_semaphore, #tpu.memory_space<semaphore_mem>>) src(%arg13 : memref<72x64xf32, #tpu.memory_space<vmem>>) dst(%dma_wait3A_240 : memref<2048x64xf32, #tpu.memory_space<vmem_shared>>)
      } else {
      }
      %add3A_224 = arith.constant 2 : i32
      %add3A_225 = arith.addi %add3A_206, %add3A_224 : i32
      %min3A_226 = arith.constant 127 : i32
      %min3A_227 = arith.minsi %add3A_225, %min3A_226 : i32
      %dma_start3A_228 = arith.constant 128 : i32
      %dma_start3A_229 = tpu.memref_slice %arg5[%min3A_227, %dma_start3A_228] : memref<128x256xi32, #tpu.memory_space<vmem>> -> memref<1x72xi32, #tpu.memory_space<vmem>>
      %dma_start3A_230 = tpu.memref_squeeze %dma_start3A_229 : memref<1x72xi32, #tpu.memory_space<vmem>> -> memref<72xi32, #tpu.memory_space<vmem>>
      %dma_start3A_231 = arith.constant 0 : i32
      %dma_start3A_232 = arith.constant 0 : i32
      %dma_start3A_233 = tpu.memref_slice %arg3[%dma_start3A_231, %dma_start3A_232] : memref<1000000x64xf32, #tpu.memory_space<hbm>> -> memref<1000000x64xf32, #tpu.memory_space<hbm>>
      tpu.enqueue_indirect_dma source(%dma_start3A_233 : memref<1000000x64xf32, #tpu.memory_space<hbm>>) target(%arg13 : memref<72x64xf32, #tpu.memory_space<vmem>>) offsets(%dma_start3A_230 : memref<72xi32, #tpu.memory_space<vmem>>) semaphore(%arg23 : memref<!tpu.dma_semaphore, #tpu.memory_space<semaphore_mem>>)
    }
    %scan3A_82 = arith.constant 32 : i32
    %dma_wait3A_83 = arith.constant 126 : i32
    %dma_wait3A_84 = arith.constant 0 : i32
    %dma_wait3A_85 = tpu.memref_slice %arg7[%dma_wait3A_83, %dma_wait3A_84] : memref<128x72xi32, #tpu.memory_space<vmem>> -> memref<1x72xi32, #tpu.memory_space<vmem>>
    %dma_wait3A_86 = tpu.memref_squeeze %dma_wait3A_85 : memref<1x72xi32, #tpu.memory_space<vmem>> -> memref<72xi32, #tpu.memory_space<vmem>>
    %dma_wait3A_87 = arith.constant 0 : i32
    %dma_wait3A_88 = arith.constant 0 : i32
    %dma_wait3A_89 = tpu.memref_slice %arg17[%dma_wait3A_87, %dma_wait3A_88] : memref<2048x64xf32, #tpu.memory_space<vmem_shared>> -> memref<2048x64xf32, #tpu.memory_space<vmem_shared>>
    tpu.wait_indirect_dma semaphore(%arg32 : memref<!tpu.dma_semaphore, #tpu.memory_space<semaphore_mem>>) src(%arg14 : memref<72x64xf32, #tpu.memory_space<vmem>>) dst(%dma_wait3A_89 : memref<2048x64xf32, #tpu.memory_space<vmem_shared>>)
    %dma_wait3A_90 = arith.constant 127 : i32
    %dma_wait3A_91 = arith.constant 0 : i32
    %dma_wait3A_92 = tpu.memref_slice %arg7[%dma_wait3A_90, %dma_wait3A_91] : memref<128x72xi32, #tpu.memory_space<vmem>> -> memref<1x72xi32, #tpu.memory_space<vmem>>
    %dma_wait3A_93 = tpu.memref_squeeze %dma_wait3A_92 : memref<1x72xi32, #tpu.memory_space<vmem>> -> memref<72xi32, #tpu.memory_space<vmem>>
    %dma_wait3A_94 = arith.constant 0 : i32
    %dma_wait3A_95 = arith.constant 0 : i32
    %dma_wait3A_96 = tpu.memref_slice %arg17[%dma_wait3A_94, %dma_wait3A_95] : memref<2048x64xf32, #tpu.memory_space<vmem_shared>> -> memref<2048x64xf32, #tpu.memory_space<vmem_shared>>
    tpu.wait_indirect_dma semaphore(%arg33 : memref<!tpu.dma_semaphore, #tpu.memory_space<semaphore_mem>>) src(%arg15 : memref<72x64xf32, #tpu.memory_space<vmem>>) dst(%dma_wait3A_96 : memref<2048x64xf32, #tpu.memory_space<vmem_shared>>)
    %dma_wait3A_97 = arith.constant 127 : i32
    %dma_wait3A_98 = arith.constant 128 : i32
    %dma_wait3A_99 = tpu.memref_slice %arg5[%dma_wait3A_97, %dma_wait3A_98] : memref<128x256xi32, #tpu.memory_space<vmem>> -> memref<1x72xi32, #tpu.memory_space<vmem>>
    %dma_wait3A_100 = tpu.memref_squeeze %dma_wait3A_99 : memref<1x72xi32, #tpu.memory_space<vmem>> -> memref<72xi32, #tpu.memory_space<vmem>>
    %dma_wait3A_101 = arith.constant 0 : i32
    %dma_wait3A_102 = arith.constant 0 : i32
    %dma_wait3A_103 = tpu.memref_slice %arg3[%dma_wait3A_101, %dma_wait3A_102] : memref<1000000x64xf32, #tpu.memory_space<hbm>> -> memref<1000000x64xf32, #tpu.memory_space<hbm>>
    tpu.wait_indirect_dma semaphore(%arg22 : memref<!tpu.dma_semaphore, #tpu.memory_space<semaphore_mem>>) src(%dma_wait3A_103 : memref<1000000x64xf32, #tpu.memory_space<hbm>>) dst(%arg12 : memref<72x64xf32, #tpu.memory_space<vmem>>)
    %dma_wait3A_104 = arith.constant 127 : i32
    %dma_wait3A_105 = arith.constant 128 : i32
    %dma_wait3A_106 = tpu.memref_slice %arg5[%dma_wait3A_104, %dma_wait3A_105] : memref<128x256xi32, #tpu.memory_space<vmem>> -> memref<1x72xi32, #tpu.memory_space<vmem>>
    %dma_wait3A_107 = tpu.memref_squeeze %dma_wait3A_106 : memref<1x72xi32, #tpu.memory_space<vmem>> -> memref<72xi32, #tpu.memory_space<vmem>>
    %dma_wait3A_108 = arith.constant 0 : i32
    %dma_wait3A_109 = arith.constant 0 : i32
    %dma_wait3A_110 = tpu.memref_slice %arg3[%dma_wait3A_108, %dma_wait3A_109] : memref<1000000x64xf32, #tpu.memory_space<hbm>> -> memref<1000000x64xf32, #tpu.memory_space<hbm>>
    tpu.wait_indirect_dma semaphore(%arg23 : memref<!tpu.dma_semaphore, #tpu.memory_space<semaphore_mem>>) src(%dma_wait3A_110 : memref<1000000x64xf32, #tpu.memory_space<hbm>>) dst(%arg13 : memref<72x64xf32, #tpu.memory_space<vmem>>)
    %mul3A_111 = arith.constant 128 : i32
    %mul3A_112 = arith.muli %add3A, %mul3A_111 : i32
    "tpu.region"() ({
      %run_scoped3A = tpu.sem_alloc : memref<!tpu.dma_semaphore, #tpu.memory_space<semaphore_mem>>
      %dma_start3A_113 = arith.constant 0 : i32
      %dma_start3A_114 = tpu.memref_slice %arg4[%mul3A_112, %dma_start3A_113] : memref<4096x64xf32, #tpu.memory_space<hbm>> -> memref<128x64xf32, #tpu.memory_space<hbm>>
      %dma_start3A_115 = arith.constant 0 : i32
      %dma_start3A_116 = tpu.memref_slice %arg17[%mul3A_2, %dma_start3A_115] : memref<2048x64xf32, #tpu.memory_space<vmem_shared>> -> memref<128x64xf32, #tpu.memory_space<vmem_shared>>
      tpu.enqueue_dma source(%dma_start3A_116 : memref<128x64xf32, #tpu.memory_space<vmem_shared>>) target(%dma_start3A_114 : memref<128x64xf32, #tpu.memory_space<hbm>>) target_semaphore(%run_scoped3A : memref<!tpu.dma_semaphore, #tpu.memory_space<semaphore_mem>>)
      %dma_wait3A_117 = arith.constant 0 : i32
      %dma_wait3A_118 = tpu.memref_slice %arg4[%mul3A_112, %dma_wait3A_117] : memref<4096x64xf32, #tpu.memory_space<hbm>> -> memref<128x64xf32, #tpu.memory_space<hbm>>
      %dma_wait3A_119 = arith.constant 0 : i32
      %dma_wait3A_120 = tpu.memref_slice %arg17[%mul3A_2, %dma_wait3A_119] : memref<2048x64xf32, #tpu.memory_space<vmem_shared>> -> memref<128x64xf32, #tpu.memory_space<vmem_shared>>
      tpu.wait_dma2 semaphore(%run_scoped3A : memref<!tpu.dma_semaphore, #tpu.memory_space<semaphore_mem>>) src(%dma_wait3A_120 : memref<128x64xf32, #tpu.memory_space<vmem_shared>>) dst(%dma_wait3A_118 : memref<128x64xf32, #tpu.memory_space<hbm>>)
      tpu.yield
    }) : () -> ()
    return
  }
}

module attributes {stable_mosaic.version = 14 : i64} {
  func.func @_head_body(%arg0: i32, %arg1: memref<1024x64xf32, #tpu.memory_space<vmem>>, %arg2: memref<64x20xf32, #tpu.memory_space<vmem>>, %arg3: memref<1x20xf32, #tpu.memory_space<vmem>>, %arg4: memref<1024x20xf32, #tpu.memory_space<vmem>>) attributes {dimension_semantics = [#tpu.dimension_semantics<arbitrary>], iteration_bounds = array<i64: 4>, scalar_prefetch = 0 : i64, scratch_operands = 0 : i64, tpu.core_type = #tpu.core_type<tc>, window_params = [{transform_indices = @transform_0, window_bounds = array<i64: 1024, 64>}, {pipeline_mode = #tpu.pipeline_mode<synchronous>, transform_indices = @transform_1, window_bounds = array<i64: 64, 20>}, {pipeline_mode = #tpu.pipeline_mode<synchronous>, transform_indices = @transform_2, window_bounds = array<i64: 1, 20>}, {transform_indices = @transform_3, window_bounds = array<i64: 1024, 20>}]} {
    %get3A = arith.constant 0 : index
    %get3A_0 = arith.constant 0 : index
    %get3A_1 = vector.load %arg1[%get3A, %get3A_0] : memref<1024x64xf32, #tpu.memory_space<vmem>>, vector<1024x64xf32>
    %mul3A = arith.constant 5.000000e-03 : f32
    %mul3A_2 = vector.broadcast %mul3A : f32 to vector<1024x64xf32>
    %mul3A_3 = arith.mulf %get3A_1, %mul3A_2 : vector<1024x64xf32>
    %max3A = arith.constant 0.000000e+00 : f32
    %max3A_4 = vector.broadcast %max3A : f32 to vector<1024x64xf32>
    %max3A_5 = arith.maximumf %mul3A_3, %max3A_4 : vector<1024x64xf32>
    %get3A_6 = arith.constant 0 : index
    %get3A_7 = arith.constant 0 : index
    %get3A_8 = vector.load %arg2[%get3A_6, %get3A_7] : memref<64x20xf32, #tpu.memory_space<vmem>>, vector<64x20xf32>
    %dot_general3A = arith.constant dense<0.000000e+00> : vector<1024x20xf32>
    %dot_general3A_9 = tpu.matmul %max3A_5, %get3A_8, %dot_general3A {dimension_numbers = #tpu.dot_dimension_numbers<[1], [0], [0], [1], [0, 0, 1, 1], [], []>, transpose_lhs_hint = false} : vector<1024x64xf32>, vector<64x20xf32>, vector<1024x20xf32> -> vector<1024x20xf32>
    %get3A_10 = arith.constant 0 : index
    %get3A_11 = arith.constant 0 : index
    %get3A_12 = vector.load %arg3[%get3A_10, %get3A_11] : memref<1x20xf32, #tpu.memory_space<vmem>>, vector<1x20xf32>
    %add3A = vector.broadcast %get3A_12 : vector<1x20xf32> to vector<1024x20xf32>
    %add3A_13 = arith.addf %dot_general3A_9, %add3A : vector<1024x20xf32>
    %swap3A = arith.constant 0 : index
    %swap3A_14 = arith.constant 0 : index
    %swap3A_15 = vector.load %arg4[%swap3A, %swap3A_14] : memref<1024x20xf32, #tpu.memory_space<vmem>>, vector<1024x20xf32>
    tpu.vector_store %arg4[%swap3A, %swap3A_14], %add3A_13 {strides = array<i32>} : memref<1024x20xf32, #tpu.memory_space<vmem>>, vector<1024x20xf32>,
    return
  }
  func.func @transform_0(%arg0: i32) -> (i32, i32) {
    %c0_i32 = arith.constant 0 : i32
    %c0_i32_0 = arith.constant 0 : i32
    return %arg0, %c0_i32 : i32, i32
  }
  func.func @transform_1(%arg0: i32) -> (i32, i32) {
    %c0_i32 = arith.constant 0 : i32
    %c0_i32_0 = arith.constant 0 : i32
    %c0_i32_1 = arith.constant 0 : i32
    return %c0_i32, %c0_i32_0 : i32, i32
  }
  func.func @transform_2(%arg0: i32) -> (i32, i32) {
    %c0_i32 = arith.constant 0 : i32
    %c0_i32_0 = arith.constant 0 : i32
    %c0_i32_1 = arith.constant 0 : i32
    return %c0_i32, %c0_i32_0 : i32, i32
  }
  func.func @transform_3(%arg0: i32) -> (i32, i32) {
    %c0_i32 = arith.constant 0 : i32
    %c0_i32_0 = arith.constant 0 : i32
    return %arg0, %c0_i32 : i32, i32
  }
}

</mosaic_0001>

<sc_bundles>
// kernel: kernel.4.cloned.1.call-start
scs
__scs_entry_jumppad:
0x0: {  	(pc) =	sbr.rel $0x88, $3  }
0x1: {  	(tag) =	ssettag $0x0;
	lr =	simm.s32 $0x1  }
0x2: {  	[smem:$0x3F9D] =	sst lr;
	_ =	strace $0xD0000000  }
0x3: {  	_ = 	snop  }
0x4: {  	_ = 	snop  }
0x5: {  	_ = 	snop  }
0x6: {  	_ = 	snop  }
0x7: {  	_ = 	snop  }
__scs_overlays_trampoline_lowered:
0x8: {  	[smem:$0x3FAC] =	sst s0  }
0x9: {  	[smem:$0x3FAD] =	sst s1  }
0xa: {  	[smem:$0x3FAE] =	sst s2  }
0xb: {  	[smem:$0x3FAF] =	sst s3  }
0xc: {  	[smem:$0x3FB0] =	sst s4  }
0xd: {  	[smem:$0x3FB1] =	sst s5  }
0xe: {  	[smem:$0x3FB2] =	sst s6  }
0xf: {  	[smem:$0x3FB3] =	sst s7  }
0x10: {  	[smem:$0x3FB4] =	sst s8  }
0x11: {  	[smem:$0x3FB5] =	sst s9;
	s0 =	simm.s32 @!p0 $0x0  }
0x12: {  	s1 =	sld [smem:$0x3F9B];
	s0 =	simm.s32 @p0 $0x1  }
0x13: {  	[smem:$0x3FB6] =	sst s0;
	s0 =	simm.s32 @!p1 $0x0  }
0x14: {  	s2 =	sld [smem:$0x3F9A];
	s0 =	simm.s32 @p1 $0x1  }
0x15: {  	[smem:$0x3FB7] =	sst s0;
	s0 =	simm.s32 @!p2 $0x0  }
0x16: {  	s3 =	sld [smem:$0x3FDB];
	s0 =	simm.s32 @p2 $0x1  }
0x17: {  	s4 =	simm.s32 $0x1BF5;
	[smem:$0x3FB9] =	sst s0  }
0x18: {  	s0 =	sld [smem:$0x3F9C];
	_ =	swait.ge [sflag:s4], $0x0  }
0x19: {  	s7 =	sld [smem:$0x3F9D]  }
0x1a: {  	s8 =	sadd.s32 $0xFFFFE003, lr  }
0x1b: {  	s9 =	sadd.s32 $0xFFFFFEF7, lr;
	s5 =	simm.s32 $0xFFFFFFFF;
	p2 =	slt.u32 s8, $0xFFFFF086  }
0x1c: {  	p1 =	slt.u32 s9, $0xF7A;
	s5 =	simm.s32 @!p2 $0x0  }
0x1d: {  	s5 =	simm.s32 @p1 $0x1;
	p0 =	seq.s32 s7, s2  }
0x1e: {  	s7 =	smul.u32 @!p0 $0xF7A, s2;
	p2 =	seq.s32 @!p0 s5, $0x0  }
0x1f: {  	s9 =	smul.u32 $0xF7A, s1;
	s8 =	simm.s32 @!p0 $0x1BF5;
	p2 =	por !p2, p0  }
0x20: {  	[sflag:s8] =	ssyncset.s32 @!p0 $0xFFFFF086;
	s6 =	sadd.s32 @!p0 s3, s7;
	s7 =	simm.s32 @!p0 $0x108  }
0x21: {  	s3 =	sadd.s32 s3, s9;
	s6 =	sadd.s32 @!p0 $0x88, s6;
	s7 =	simm.s32 @p2 $0x1082  }
0x22: {  	[simem:s7], [sflag:s8] =	dma.local @!p0 [hbm:s6], $0xF7A  }
0x23: {  	s9 =	sor.u32 $0xD0000000, s2;
	s6 =	simm.s32 $0x108;
	_ =	swait.ge @!p0 [sflag:s8], $0x0  }
0x24: {  	s3 =	sadd.s32 $0x88, s3;
	s6 =	simm.s32 @!p1 $0x1082;
	[sflag:s4] =	ssyncset.s32 $0xFFFFF086  }
0x25: {  	[simem:s6], [sflag:s4] =	dma.local [hbm:s3], $0xF7A  }
0x26: {  	[smem:$0x3F9D] =	sst s1;
	(tag) =	ssettag s2;
	_ =	strace s9  }
0x27: {  	s1 =	sld [smem:$0x3FAD]  }
0x28: {  	s2 =	sld [smem:$0x3FAE]  }
0x29: {  	s4 =	sld [smem:$0x3FB0]  }
0x2a: {  	p0 =	seq.s32 s5, $0x0;
	s5 =	sld [smem:$0x3FB1]  }
0x2b: {  	s6 =	sld [smem:$0x3FB2]  }
0x2c: {  	s7 =	sld [smem:$0x3FB3]  }
0x2d: {  	s3 =	simm.s32 $0x108;
	s8 =	sld [smem:$0x3FB4]  }
0x2e: {  	s3 =	simm.s32 @!p0 $0x1082;
	s9 =	sld [smem:$0x3FB5]  }
0x2f: {  	lr =	sadd.s32 s0, s3;
	s0 =	sld [smem:$0x3FAC]  }
0x30: {  	s3 =	sld [smem:$0x3FAF]  }
0x31: {  	[smem:$0x3FB8] =	sst s10  }
0x32: {  	s10 =	sld [smem:$0x3FB6];
	_ =	sdelay $0x3  }
0x33: {  	p0 =	seq.s32 s10, $0x1;
	s10 =	sld [smem:$0x3FB8];
	_ =	sdelay $0x3  }
0x34: {  	[smem:$0x3FB8] =	sst s10  }
0x35: {  	s10 =	sld [smem:$0x3FB7];
	_ =	sdelay $0x3  }
0x36: {  	p1 =	seq.s32 s10, $0x1;
	s10 =	sld [smem:$0x3FB8];
	_ =	sdelay $0x3  }
0x37: {  	[smem:$0x3FB8] =	sst s10  }
0x38: {  	s10 =	sld [smem:$0x3FB9]  }
0x39: {  	_ = 	snop;
	(pc) =	sbr.ind lr, $3  }
0x3a: {  	_ = 	snop  }
0x3b: {  	_ = 	snop  }
0x3c: {  	p2 =	seq.s32 s10, $0x1;
	s10 =	sld [smem:$0x3FB8]  }
0x3d: {  	_ =	shalt  }
0x3e: {  	_ =	shalt  }
0x3f: {  	_ =	shalt  }
0x40: {  	_ =	shalt  }
0x41: {  	_ =	shalt  }
0x42: {  	_ =	shalt  }
0x43: {  	_ =	shalt  }
0x44: {  	_ =	shalt  }
0x45: {  	_ =	shalt  }
0x46: {  	_ =	shalt  }
0x47: {  	_ =	shalt  }
0x48: {  	_ =	shalt  }
0x49: {  	_ =	shalt  }
0x4a: {  	_ =	shalt  }
0x4b: {  	_ =	shalt  }
0x4c: {  	_ =	shalt  }
0x4d: {  	_ =	shalt  }
0x4e: {  	_ =	shalt  }
0x4f: {  	_ =	shalt  }
0x50: {  	_ =	shalt  }
0x51: {  	_ =	shalt  }
0x52: {  	_ =	shalt  }
0x53: {  	_ =	shalt  }
0x54: {  	_ =	shalt  }
0x55: {  	_ =	shalt  }
0x56: {  	_ =	shalt  }
0x57: {  	_ =	shalt  }
0x58: {  	_ =	shalt  }
0x59: {  	_ =	shalt  }
0x5a: {  	_ =	shalt  }
0x5b: {  	_ =	shalt  }
0x5c: {  	_ =	shalt  }
0x5d: {  	_ =	shalt  }
0x5e: {  	_ =	shalt  }
0x5f: {  	_ =	shalt  }
0x60: {  	_ =	shalt  }
0x61: {  	_ =	shalt  }
0x62: {  	_ =	shalt  }
0x63: {  	_ =	shalt  }
0x64: {  	_ =	shalt  }
0x65: {  	_ =	shalt  }
0x66: {  	_ =	shalt  }
0x67: {  	_ =	shalt  }
0x68: {  	_ =	shalt  }
0x69: {  	_ =	shalt  }
0x6a: {  	_ =	shalt  }
0x6b: {  	_ =	shalt  }
0x6c: {  	_ =	shalt  }
0x6d: {  	_ =	shalt  }
0x6e: {  	_ =	shalt  }
0x6f: {  	_ =	shalt  }
0x70: {  	_ =	shalt  }
0x71: {  	_ =	shalt  }
0x72: {  	_ =	shalt  }
0x73: {  	_ =	shalt  }
0x74: {  	_ =	shalt  }
0x75: {  	_ =	shalt  }
0x76: {  	_ =	shalt  }
0x77: {  	_ =	shalt  }
0x78: {  	_ =	shalt  }
0x79: {  	_ =	shalt  }
0x7a: {  	_ =	shalt  }
0x7b: {  	_ =	shalt  }
0x7c: {  	_ =	shalt  }
0x7d: {  	_ =	shalt  }
0x7e: {  	_ =	shalt  }
0x7f: {  	_ =	shalt  }
0x80: {  	_ =	shalt  }
0x81: {  	_ =	shalt  }
0x82: {  	_ =	shalt  }
0x83: {  	_ =	shalt  }
0x84: {  	_ =	shalt  }
0x85: {  	_ =	shalt  }
0x86: {  	_ =	shalt  }
0x87: {  	_ =	shalt  }
.Lfunc_end0:
.L_simem_size_0:
called_computation_lowered:
.L_overlay_start_0:
0x88: {  	s2 =	sld [smem:$0x3FD9]  }
0x89: {  	s3 =	sld [smem:$0x3FFE];
	_ =	sdelay $0x1  }
0x8a: {  	s1 =	srdreg.scid  }
0x8b: {  	s0 =	sand.u32 $0x1, s1  }
0x8c: {  	s16 =	sshll.u32 s0, $0xA;
	s2 =	sadd.s32 s3, s2  }
0x8d: {  	s2 =	sadd.s32 s2, s16  }
0x8e: {  	[smem:$0x3FC4] =	sst s2  }
0x8f: {  	_ = 	snop  }
0x90: {  	(tm) =	ssettm $0x1  }
0x91: {  	s17 =	sld [smem:$0x3FFB];
	_ =	sdelay $0x3  }
0x92: {  	_ =	strace s17  }
0x93: {  	s2 =	sld [smem:$0x3FFC];
	_ =	sdelay $0x3  }
0x94: {  	_ =	strace s2  }
0x95: {  	s2 =	sld [smem:$0x3FFD];
	_ =	sdelay $0x3  }
0x96: {  	_ =	strace s2  }
0x97: {  	_ =	strace $0x8FFFFFFF  }
0x98: {  	s18 =	sld [smem:$0x3FDB];
	_ =	sdelay $0x1  }
0x99: {  	s19 =	simm.s32 $_scs_section_size  }
0x9a: {  	s4 =	simm.s32 $_size__tile_overlayer_lowered;
	s5 =	simm.s32 $_tile_overlayer_lowered  }
0x9b: {  	s22 =	simm.s32 $0x1BFF;
	s21 =	sshll.u32 s5, $0x1;
	s2 =	sadd.s32 s19, s18  }
0x9c: {  	s6 =	simm.s32 $0x0;
	s20 =	sshll.u32 s4, $0x1;
	s4 =	sadd.s32 s21, s2  }
0x9d: {  	[timem:s6], [sflag:s22] =	dma.local [hbm:s4], s20  }
0x9e: {  	_ =	swait.ge [sflag:s22], s20  }
0x9f: {  	s3 =	ssub.s32 $0x0, s20;
	[sflag:s22] =	ssyncset.done $0x0  }
0xa0: {  	[sflag:s22] =	ssyncadd.s32 s3;
	_ =	sdelay $0x1  }
0xa1: {  	s23 =	simm.s32 $0x1B8B  }
0xa2: {  	_ =	swait.ge [sflag:s23], $0x1  }
0xa3: {  	[sflag:s23] =	ssyncset.done $0x0  }
0xa4: {  	s25 =	simm.s32 $0x1B8E;
	s24 =	sld [smem:$0x3FFE];
	[sflag:s23] =	ssyncadd.s32 $0xFFFFFFFF  }
0xa5: {  	s26 =	simm.s32 $execute0_lowered;
	[smem:$0x3FD2] =	sst s25  }
0xa6: {  	s4 =	sshll.u32 s26, $0x1;
	_ =	strace $0x80000046;
	[dreg:$0x1] =	wrdreg $0xFFFFFFFF  }
0xa7: {  	s28 =	simm.s32 $_size_execute0_lowered;
	s2 =	sadd.s32 s2, s4;
	[dreg:$0x0] =	wrdreg $0x0  }
0xa8: {  	s4 =	sshll.u32 s28, $0x1;
	[dreg:$0x2] =	wrdreg s2  }
0xa9: {  	[dreg:$0x3] =	wrdreg s4  }
0xaa: {  	[dreg:$0x4] =	wrdreg $0xC0  }
0xab: {  	_ =	task [dreg:s6], $0x5FFFF  }
0xac: {  	[dreg:$0x1] =	wrdreg $0xFFFFFFFF  }
0xad: {  	[dreg:$0x0] =	wrdreg $0x60  }
0xae: {  	[dreg:$0x2] =	wrdreg s24  }
0xaf: {  	[dreg:$0x3] =	wrdreg $0x1CC000  }
0xb0: {  	[dreg:$0x4] =	wrdreg $0x9  }
0xb1: {  	_ =	task.clear_ibuf [dreg:s6], $0x5FFFF;
	_ =	strace $0x90000046  }
0xb2: {  	s29 =	simm.s32 $0x9;
	_ =	strace $0x80000048  }
0xb3: {  	_ =	swait.ge [sflag:s29], $0x1  }
0xb4: {  	[sflag:s29] =	ssyncadd.s32 $0xFFFFFFFF  }
0xb5: {  	_ =	strace $0x90000048  }
0xb6: {  	_ =	sfence  }
0xb7: {  	s30 =	sld [smem:$0x0];
	_ =	sdelay $0x2  }
0xb8: {  	s31 =	sshll.u32 s1, $0xD;
	s1 =	sshrl.u32 s1, $0x2  }
0xb9: {  	s3 =	sand.u32 $0x4000, s31;
	s1 =	sadd.s32 s1, s30  }
0xba: {  	s0 =	sor.u32 s3, s0;
	s1 =	sshll.u32 s1, $0x11  }
0xbb: {  	s0 =	sor.u32 s1, s0  }
0xbc: {  	s0 =	sadd.s32 $0x8F2B, s0  }
0xbd: {  	[sflag:s0] =	ssyncadd.remote.s32 $0x1  }
0xbe: {  	_ =	sfence.sel $0xFFFF  }
0xbf: {  	[dreg:$0x0] =	wrdreg $0xFFFFFFFF;
	(pc) =	sbr.abs _section_cstart, $3  }
0xc0: {  	[dreg:$0x1] =	wrdreg $0xFFFFFFFF  }
0xc1: {  	_ =	task.clear_ibuf [dreg:s6], $0x2FFFF;
	_ =	strace $0x9FFFFFFF  }
0xc2: {  	(tm) =	ssettm $0x7FFFFFFF  }
0xc3: {  	_ =	shalt  }
tec
execute0_lowered:
.L_overlay_start_1:
0x0: {  	(tag) =	ssettag $0x1  }
0x1: {  	s0 =	rddreg [dreg:$0x0]  }
0x2: {  	s2 =	rddreg [dreg:$0x1]  }
0x3: {  	s1 =	srdreg.scid;
	s6 =	stileid.u32  }
0x4: {  	s4 =	simm.s32 $0x0;
	s10 =	simm.s32 $0x11;
	s12 =	simm.s32 $0x80  }
0x5: {  	s16 =	simm.s32 $0x1;
	s19 =	simm.s32 $0x12400;
	s20 =	simm.s32 $0x2  }
0x6: {  	s29 =	simm.s32 $0x4;
	s31 =	simm.s32 $0xA;
	s11 =	simm.s32 $0xC  }
0x7: {  	s28 =	simm.s32 $0x48;
	s30 =	simm.s32 $0x16400;
	s14 =	simm.s32 $0x17600  }
0x8: {  	s18 =	simm.s32 $0x19A00;
	s17 =	simm.s32 $0xD;
	s8 =	simm.s32 $0xE  }
0x9: {  	s9 =	simm.s32 $0xF;
	s21 =	simm.s32 $0x10;
	s7 =	simm.s32 $0x0  }
0xa: {  	s1 =	sand.u32 $0x1, s1;
	s15 =	sshll.u32 s6, $0x7;
	[smem:$0x7FF] =	sst s4  }
0xb: {  	s5 =	sadd.s32 $0xF42E00, s0;
	s25 =	sshll.u32 s6, $0xD;
	s6 =	simm.s32 $0x8  }
0xc: {  	s3 =	sshll.u32 s1, $0xB;
	_ =	strace $0x80000047;
	s1 =	ssub.s32 $0x2, s1  }
0xd: {  	[dreg:$0x3] =	wrdreg s15;
	s3 =	sor.u32 s15, s3;
	s23 =	sshrl.u32 s1, $0x1  }
0xe: {  	s22 =	sshll.u32 s3, $0x5;
	s3 =	sshll.u32 s3, $0x3;
	s1 =	ssub.s32 s1, s23  }
0xf: {  	s23 =	simm.s32 $0x14400;
	s4 =	sadd.s32 s22, s0;
	s0 =	sadd.s32 s3, s0  }
0x10: {  	s3 =	sadd.s32 s25, s2;
	s26 =	smax.u32 s1, $0x1;
	s1 =	simm.s32 $0x5  }
0x11: {  	s22 =	simm.s32 $0x18800;
	s25 =	simm.s32 $0x6;
	[dreg:$0x5] =	wrdreg s3  }
0x12: {  	s24 =	sadd.s32 $0xA00, s4;
	s0 =	sadd.s32 $0x20A00, s0;
	[dreg:$0x7] =	wrdreg s26  }
0x13: {  	s26 =	simm.s32 $0x9;
	s3 =	simm.s32 $0xB;
	[dreg:$0x4] =	wrdreg s24  }
0x14: {  	v0 =	vimm.f32 $0.0e+00;
	[dreg:$0x6] =	wrdreg s0;
	s24 =	simm.s32 $0x3;
	s0 =	simm.s32 $0x7  }
.LBB2_1:
0x15: {  	[dreg:$0x8] =	wrdreg s7  }
0x16: {  	s4 =	simm.s32 $0x0;
	s13 =	rddreg [dreg:$0x4]  }
0x17: {  	[tilespmem:s4], [sflag:$0x11] =	stream.linear.gather [hbm4b:s13+s4], $0x8000, $0x38;
	[tilespmem:$0x1EC00] =	vst v63  }
0x18: {  	_ =	swait.ge [sflag:s10], $0x8000  }
0x19: {  	s13 =	sadd.s32 $0x0, s15;
	[sflag:s10] =	ssyncset.done $0x0  }
0x1a: {  	s7 =	simm.s32 $0x8040;
	v1 =	vmov s13;
	[sflag:s10] =	ssyncadd.s32 $0xFFFF8000  }
0x1b: {  	[tilespmem:s7+$0xFFFFFFF0] =	vst v1  }
0x1c: {  	[tilespmem:s7+$0x0] =	vst v1  }
0x1d: {  	[tilespmem:s7+$0x20] =	vst v1  }
0x1e: {  	[tilespmem:s7+$0x30] =	vst v1  }
0x1f: {  	[tilespmem:s7+$0xFFFFFFC0] =	vst v1  }
0x20: {  	[tilespmem:s7+$0xFFFFFFD0] =	vst v1  }
0x21: {  	[tilespmem:s7+$0xFFFFFFE0] =	vst v1  }
0x22: {  	s4 =	simm.s32 $0xC020;
	s10 =	simm.s32 $0x1;
	[tilespmem:s7+$0x10] =	vst v1  }
.LBB2_2:
0x23: {  	p0 =	sne.s32 s10, $0x7F;
	[tilespmem:s4+$0x10] =	vst v1  }
0x24: {  	[tilespmem:s4+$0x18] =	vst v1  }
0x25: {  	[tilespmem:s4+$0xFFFFFFE0] =	vst v1  }
0x26: {  	s13 =	sadd.s32 s10, s15;
	[tilespmem:s4+$0xFFFFFFF0] =	vst v1  }
0x27: {  	s7 =	sadd.s32 $0x80, s7;
	[tilespmem:s4+$0x0] =	vst v1;
	v1 =	vmov s13  }
0x28: {  	[tilespmem:s7+$0xFFFFFFF0] =	vst v1  }
0x29: {  	[tilespmem:s7+$0x0] =	vst v1  }
0x2a: {  	[tilespmem:s7+$0x20] =	vst v1  }
.Ltmp0:
0x2b: {  	[tilespmem:s7+$0x30] =	vst v1;
	(pc) =	sbr.rel @p0 .LBB2_2-.Ltmp0, $4  }
0x2c: {  	[tilespmem:s7+$0xFFFFFFC0] =	vst v1  }
0x2d: {  	[tilespmem:s7+$0xFFFFFFD0] =	vst v1  }
0x2e: {  	[tilespmem:s7+$0xFFFFFFE0] =	vst v1  }
0x2f: {  	s10 =	sadd.s32 $0x1, s10;
	s4 =	sadd.s32 $0x48, s4;
	[tilespmem:s7+$0x10] =	vst v1  }
0x30: {  	[tilespmem:s4+$0x10] =	vst v1  }
0x31: {  	s7 =	simm.s32 $0x0;
	[tilespmem:s4+$0xFFFFFFE0] =	vst v1  }
0x32: {  	[tilespmem:s4+$0xFFFFFFF0] =	vst v1;
	s10 =	sand.u32 $0x7F00, s7  }
0x33: {  	[tilespmem:s4+$0x0] =	vst v1;
	s13 =	sand.u32 $0x30, s7;
	s10 =	sshrl.u32 s10, $0x2  }
0x34: {  	[tilespmem:s4+$0x18] =	vst v1;
	s4 =	simm.s32 $0x40;
	s10 =	sor.u32 s13, s10  }
.LBB2_4:
0x35: {  	p0 =	sne.s32 s4, $0x7FC0  }
0x36: {  	[tilespmem:s10+$0x1AC00] =	vst v0;
	s7 =	sadd.s32 $0x10, s7;
	s10 =	smov.u32 s4;
	s4 =	sadd.s32 $0x40, s4  }
.Ltmp1:
0x37: {  	(pc) =	sbr.rel @p0 .LBB2_4-.Ltmp1, $4  }
0x38: {  	_ = 	snop  }
0x39: {  	s10 =	sand.u32 $0x7F00, s10  }
0x3a: {  	s13 =	sand.u32 $0x30, s7;
	s10 =	sshrl.u32 s10, $0x2  }
0x3b: {  	s10 =	sor.u32 s13, s10  }
0x3c: {  	[tilespmem:s10+$0x1AC00] =	vst v0;
	s4 =	rddreg [dreg:$0x5];
	s7 =	simm.s32 $0x1AC00;
	s15 =	simm.s32 $0x11  }
0x3d: {  	[spmem:s4] =	stream.linear.scatter [tilespmem:s7], [sflag:$0x11], $0x2000, $0x38;
	[tilespmem:$0x1EC00] =	vst v63  }
0x3e: {  	_ =	swait.ge [sflag:s15], $0x2000  }
0x3f: {  	[sflag:s15] =	ssyncset.done $0x0  }
0x40: {  	s7 =	simm.s32 $0x0;
	[sflag:s15] =	ssyncadd.s32 $0xFFFFE000;
	s15 =	simm.s32 $0xE400  }
0x41: {  	[tilespmem:s15], [sflag:$0x1] =	stream.indirect.gather [hbm4b:s5+s12], $0x40, s7, s12, $0xb8;
	[tilespmem:$0x1EC00] =	vst v63  }
0x42: {  	s10 =	simm.s32 $0x100;
	s13 =	simm.s32 $0x10400  }
0x43: {  	[tilespmem:s13], [sflag:$0x2] =	stream.indirect.gather [hbm4b:s5+s12], $0x40, s10, s12, $0xb8;
	[tilespmem:$0x1EC00] =	vst v63  }
0x44: {  	_ =	swait.ge [sflag:s16], $0x2000  }
0x45: {  	[sflag:s16] =	ssyncset.done $0x0  }
0x46: {  	s7 =	simm.s32 $0x8000;
	[sflag:s16] =	ssyncadd.s32 $0xFFFFE000  }
0x47: {  	[spmem:s2] =	stream.indirect.scatter.add.f32 [tilespmem:s15], [sflag:$0x9], $0x40, s7, s12, $0xb8;
	[tilespmem:$0x1EC00] =	vst v63  }
0x48: {  	s10 =	simm.s32 $0x200  }
0x49: {  	[tilespmem:s19], [sflag:$0x3] =	stream.indirect.gather [hbm4b:s5+s12], $0x40, s10, s12, $0xb8;
	[tilespmem:$0x1EC00] =	vst v63  }
0x4a: {  	_ =	swait.ge [sflag:s20], $0x2000  }
0x4b: {  	[sflag:s20] =	ssyncset.done $0x0  }
0x4c: {  	s7 =	simm.s32 $0x8080;
	[sflag:s20] =	ssyncadd.s32 $0xFFFFE000  }
0x4d: {  	[spmem:s2] =	stream.indirect.scatter.add.f32 [tilespmem:s13], [sflag:$0xA], $0x40, s7, s12, $0xb8;
	[tilespmem:$0x1EC00] =	vst v63  }
0x4e: {  	s10 =	simm.s32 $0x300  }
0x4f: {  	[tilespmem:s23], [sflag:$0x4] =	stream.indirect.gather [hbm4b:s5+s12], $0x40, s10, s12, $0xb8;
	[tilespmem:$0x1EC00] =	vst v63  }
0x50: {  	_ =	swait.ge [sflag:s24], $0x2000  }
0x51: {  	[sflag:s24] =	ssyncset.done $0x0  }
0x52: {  	s7 =	simm.s32 $0x8100;
	[sflag:s24] =	ssyncadd.s32 $0xFFFFE000  }
0x53: {  	[spmem:s2] =	stream.indirect.scatter.add.f32 [tilespmem:s19], [sflag:$0xB], $0x40, s7, s12, $0xb8;
	[tilespmem:$0x1EC00] =	vst v63  }
0x54: {  	_ =	swait.ge [sflag:s26], $0x2000  }
0x55: {  	[sflag:s26] =	ssyncset.done $0x0  }
0x56: {  	s10 =	simm.s32 $0x400;
	[sflag:s26] =	ssyncadd.s32 $0xFFFFE000  }
0x57: {  	[tilespmem:s15], [sflag:$0x1] =	stream.indirect.gather [hbm4b:s5+s12], $0x40, s10, s12, $0xb8;
	[tilespmem:$0x1EC00] =	vst v63  }
0x58: {  	_ =	swait.ge [sflag:s29], $0x2000  }
0x59: {  	[sflag:s29] =	ssyncset.done $0x0  }
0x5a: {  	s7 =	simm.s32 $0x8180;
	[sflag:s29] =	ssyncadd.s32 $0xFFFFE000  }
0x5b: {  	[spmem:s2] =	stream.indirect.scatter.add.f32 [tilespmem:s23], [sflag:$0xC], $0x40, s7, s12, $0xb8;
	[tilespmem:$0x1EC00] =	vst v63  }
0x5c: {  	_ =	swait.ge [sflag:s31], $0x2000  }
0x5d: {  	[sflag:s31] =	ssyncset.done $0x0  }
0x5e: {  	s10 =	simm.s32 $0x500;
	[sflag:s31] =	ssyncadd.s32 $0xFFFFE000  }
0x5f: {  	[tilespmem:s13], [sflag:$0x2] =	stream.indirect.gather [hbm4b:s5+s12], $0x40, s10, s12, $0xb8;
	[tilespmem:$0x1EC00] =	vst v63  }
0x60: {  	_ =	swait.ge [sflag:s16], $0x2000  }
0x61: {  	[sflag:s16] =	ssyncset.done $0x0  }
0x62: {  	s7 =	simm.s32 $0x8200;
	[sflag:s16] =	ssyncadd.s32 $0xFFFFE000  }
0x63: {  	[spmem:s2] =	stream.indirect.scatter.add.f32 [tilespmem:s15], [sflag:$0x9], $0x40, s7, s12, $0xb8;
	[tilespmem:$0x1EC00] =	vst v63  }
0x64: {  	_ =	swait.ge [sflag:s3], $0x2000  }
0x65: {  	[sflag:s3] =	ssyncset.done $0x0  }
0x66: {  	s10 =	simm.s32 $0x600;
	[sflag:s3] =	ssyncadd.s32 $0xFFFFE000  }
0x67: {  	[tilespmem:s19], [sflag:$0x3] =	stream.indirect.gather [hbm4b:s5+s12], $0x40, s10, s12, $0xb8;
	[tilespmem:$0x1EC00] =	vst v63  }
0x68: {  	_ =	swait.ge [sflag:s20], $0x2000  }
0x69: {  	[sflag:s20] =	ssyncset.done $0x0  }
0x6a: {  	s7 =	simm.s32 $0x8280;
	[sflag:s20] =	ssyncadd.s32 $0xFFFFE000  }
0x6b: {  	[spmem:s2] =	stream.indirect.scatter.add.f32 [tilespmem:s13], [sflag:$0xA], $0x40, s7, s12, $0xb8;
	[tilespmem:$0x1EC00] =	vst v63  }
0x6c: {  	_ =	swait.ge [sflag:s11], $0x2000  }
0x6d: {  	[sflag:s11] =	ssyncset.done $0x0  }
0x6e: {  	s10 =	simm.s32 $0x700;
	[sflag:s11] =	ssyncadd.s32 $0xFFFFE000  }
0x6f: {  	[tilespmem:s23], [sflag:$0x4] =	stream.indirect.gather [hbm4b:s5+s12], $0x40, s10, s12, $0xb8;
	[tilespmem:$0x1EC00] =	vst v63  }
0x70: {  	_ =	swait.ge [sflag:s24], $0x2000  }
0x71: {  	[sflag:s24] =	ssyncset.done $0x0  }
0x72: {  	s7 =	simm.s32 $0x8300;
	[sflag:s24] =	ssyncadd.s32 $0xFFFFE000  }
0x73: {  	[spmem:s2] =	stream.indirect.scatter.add.f32 [tilespmem:s19], [sflag:$0xB], $0x40, s7, s12, $0xb8;
	[tilespmem:$0x1EC00] =	vst v63  }
0x74: {  	_ =	swait.ge [sflag:s26], $0x2000  }
0x75: {  	[sflag:s26] =	ssyncset.done $0x0  }
0x76: {  	s10 =	simm.s32 $0x800;
	[sflag:s26] =	ssyncadd.s32 $0xFFFFE000  }
0x77: {  	[tilespmem:s15], [sflag:$0x1] =	stream.indirect.gather [hbm4b:s5+s12], $0x40, s10, s12, $0xb8;
	[tilespmem:$0x1EC00] =	vst v63  }
0x78: {  	_ =	swait.ge [sflag:s29], $0x2000  }
0x79: {  	[sflag:s29] =	ssyncset.done $0x0  }
0x7a: {  	s19 =	simm.s32 $0x8380;
	[sflag:s29] =	ssyncadd.s32 $0xFFFFE000  }
0x7b: {  	[spmem:s2] =	stream.indirect.scatter.add.f32 [tilespmem:s23], [sflag:$0xC], $0x40, s19, s12, $0xb8;
	[tilespmem:$0x1EC00] =	vst v63  }
0x7c: {  	_ =	swait.ge [sflag:s31], $0x2000  }
0x7d: {  	s4 =	simm.s32 $0x8580;
	[sflag:s31] =	ssyncset.done $0x0  }
0x7e: {  	s7 =	simm.s32 $0x1000;
	s10 =	simm.s32 $0x900;
	[sflag:s31] =	ssyncadd.s32 $0xFFFFE000  }
.LBB2_6:
0x7f: {  	[tilespmem:s13], [sflag:$0x2] =	stream.indirect.gather [hbm4b:s5+s12], $0x40, s10, s12, $0xb8;
	[tilespmem:$0x1EC00] =	vst v63  }
0x80: {  	s10 =	smov.u32 s7  }
0x81: {  	p0 =	sne.s32 s7, $0x1D000;
	s7 =	sadd.s32 $0x1000, s7;
	_ =	swait.ge [sflag:s16], $0x2000  }
0x82: {  	s23 =	simm.s32 $0x12400;
	[sflag:s16] =	ssyncset.done $0x0  }
0x83: {  	s19 =	simm.s32 $0x10400;
	s13 =	sadd.s32 $0xFFFFFE80, s4;
	[sflag:s16] =	ssyncadd.s32 $0xFFFFE000  }
0x84: {  	[spmem:s2] =	stream.indirect.scatter.add.f32 [tilespmem:s15], [sflag:$0x9], $0x40, s13, s12, $0xb8;
	[tilespmem:$0x1EC00] =	vst v63  }
0x85: {  	_ =	swait.ge [sflag:s3], $0x2000  }
0x86: {  	s10 =	sshra.s32 s10, $0x2;
	[sflag:s3] =	ssyncset.done $0x0  }
0x87: {  	s13 =	sadd.s32 $0x600, s10;
	[sflag:s3] =	ssyncadd.s32 $0xFFFFE000  }
0x88: {  	[tilespmem:s23], [sflag:$0x3] =	stream.indirect.gather [hbm4b:s5+s12], $0x40, s13, s12, $0xb8;
	[tilespmem:$0x1EC00] =	vst v63  }
0x89: {  	s23 =	simm.s32 $0x14400  }
0x8a: {  	_ =	swait.ge [sflag:s20], $0x2000  }
0x8b: {  	[sflag:s20] =	ssyncset.done $0x0  }
0x8c: {  	s13 =	sadd.s32 $0xFFFFFF00, s4;
	[sflag:s20] =	ssyncadd.s32 $0xFFFFE000  }
0x8d: {  	[spmem:s2] =	stream.indirect.scatter.add.f32 [tilespmem:s19], [sflag:$0xA], $0x40, s13, s12, $0xb8;
	[tilespmem:$0x1EC00] =	vst v63  }
0x8e: {  	s19 =	simm.s32 $0x12400  }
0x8f: {  	_ =	swait.ge [sflag:s11], $0x2000  }
0x90: {  	[sflag:s11] =	ssyncset.done $0x0  }
0x91: {  	s13 =	sadd.s32 $0x700, s10;
	[sflag:s11] =	ssyncadd.s32 $0xFFFFE000  }
0x92: {  	[tilespmem:s23], [sflag:$0x4] =	stream.indirect.gather [hbm4b:s5+s12], $0x40, s13, s12, $0xb8;
	[tilespmem:$0x1EC00] =	vst v63  }
0x93: {  	_ =	swait.ge [sflag:s24], $0x2000  }
0x94: {  	[sflag:s24] =	ssyncset.done $0x0  }
0x95: {  	s13 =	sadd.s32 $0xFFFFFF80, s4;
	[sflag:s24] =	ssyncadd.s32 $0xFFFFE000  }
0x96: {  	[spmem:s2] =	stream.indirect.scatter.add.f32 [tilespmem:s19], [sflag:$0xB], $0x40, s13, s12, $0xb8;
	[tilespmem:$0x1EC00] =	vst v63  }
0x97: {  	_ =	swait.ge [sflag:s26], $0x2000  }
0x98: {  	[sflag:s26] =	ssyncset.done $0x0  }
0x99: {  	s13 =	sadd.s32 $0x800, s10;
	[sflag:s26] =	ssyncadd.s32 $0xFFFFE000  }
0x9a: {  	[tilespmem:s15], [sflag:$0x1] =	stream.indirect.gather [hbm4b:s5+s12], $0x40, s13, s12, $0xb8;
	[tilespmem:$0x1EC00] =	vst v63  }
0x9b: {  	s13 =	simm.s32 $0x10400  }
0x9c: {  	_ =	swait.ge [sflag:s29], $0x2000  }
0x9d: {  	[sflag:s29] =	ssyncset.done $0x0  }
.Ltmp2:
0x9e: {  	[sflag:s29] =	ssyncadd.s32 $0xFFFFE000;
	(pc) =	sbr.rel @p0 .LBB2_6-.Ltmp2, $4  }
0x9f: {  	[spmem:s2] =	stream.indirect.scatter.add.f32 [tilespmem:s23], [sflag:$0xC], $0x40, s4, s12, $0xb8;
	[tilespmem:$0x1EC00] =	vst v63  }
0xa0: {  	_ =	swait.ge [sflag:s31], $0x2000  }
0xa1: {  	[sflag:s31] =	ssyncset.done $0x0  }
0xa2: {  	s10 =	sadd.s32 $0x900, s10;
	s4 =	sadd.s32 $0x200, s4;
	[sflag:s31] =	ssyncadd.s32 $0xFFFFE000  }
0xa3: {  	[tilespmem:s13], [sflag:$0x2] =	stream.indirect.gather [hbm4b:s5+s12], $0x40, s10, s12, $0xb8;
	[tilespmem:$0x1EC00] =	vst v63  }
0xa4: {  	_ =	swait.ge [sflag:s16], $0x2000  }
0xa5: {  	[sflag:s16] =	ssyncset.done $0x0  }
0xa6: {  	s4 =	simm.s32 $0xBE00;
	[sflag:s16] =	ssyncadd.s32 $0xFFFFE000  }
0xa7: {  	[spmem:s2] =	stream.indirect.scatter.add.f32 [tilespmem:s15], [sflag:$0x9], $0x40, s4, s12, $0xb8;
	[tilespmem:$0x1EC00] =	vst v63  }
0xa8: {  	_ =	swait.ge [sflag:s3], $0x2000  }
0xa9: {  	[sflag:s3] =	ssyncset.done $0x0  }
0xaa: {  	s10 =	simm.s32 $0x7E00;
	[sflag:s3] =	ssyncadd.s32 $0xFFFFE000  }
0xab: {  	[tilespmem:s19], [sflag:$0x3] =	stream.indirect.gather [hbm4b:s5+s12], $0x40, s10, s12, $0xb8;
	[tilespmem:$0x1EC00] =	vst v63  }
0xac: {  	_ =	swait.ge [sflag:s20], $0x2000  }
0xad: {  	[sflag:s20] =	ssyncset.done $0x0  }
0xae: {  	s7 =	simm.s32 $0xBE80;
	[sflag:s20] =	ssyncadd.s32 $0xFFFFE000  }
0xaf: {  	[spmem:s2] =	stream.indirect.scatter.add.f32 [tilespmem:s13], [sflag:$0xA], $0x40, s7, s12, $0xb8;
	[tilespmem:$0x1EC00] =	vst v63  }
0xb0: {  	_ =	swait.ge [sflag:s11], $0x2000  }
0xb1: {  	[sflag:s11] =	ssyncset.done $0x0  }
0xb2: {  	s10 =	simm.s32 $0x7F00;
	[sflag:s11] =	ssyncadd.s32 $0xFFFFE000  }
0xb3: {  	[tilespmem:s23], [sflag:$0x4] =	stream.indirect.gather [hbm4b:s5+s12], $0x40, s10, s12, $0xb8;
	[tilespmem:$0x1EC00] =	vst v63  }
0xb4: {  	_ =	swait.ge [sflag:s24], $0x2000  }
0xb5: {  	[sflag:s24] =	ssyncset.done $0x0  }
0xb6: {  	s7 =	simm.s32 $0xBF00;
	[sflag:s24] =	ssyncadd.s32 $0xFFFFE000  }
0xb7: {  	[spmem:s2] =	stream.indirect.scatter.add.f32 [tilespmem:s19], [sflag:$0xB], $0x40, s7, s12, $0xb8;
	[tilespmem:$0x1EC00] =	vst v63  }
0xb8: {  	_ =	swait.ge [sflag:s26], $0x2000  }
0xb9: {  	[sflag:s26] =	ssyncset.done $0x0  }
0xba: {  	[sflag:s26] =	ssyncadd.s32 $0xFFFFE000  }
0xbb: {  	[tilespmem:s15], [sflag:$0x1] =	stream.indirect.gather [hbm4b:s5+s12], $0x40, s10, s12, $0xb8;
	[tilespmem:$0x1EC00] =	vst v63  }
0xbc: {  	_ =	swait.ge [sflag:s29], $0x2000  }
0xbd: {  	[sflag:s29] =	ssyncset.done $0x0  }
0xbe: {  	s15 =	simm.s32 $0xBF80;
	[sflag:s29] =	ssyncadd.s32 $0xFFFFE000  }
0xbf: {  	[spmem:s2] =	stream.indirect.scatter.add.f32 [tilespmem:s23], [sflag:$0xC], $0x40, s15, s12, $0xb8;
	[tilespmem:$0x1EC00] =	vst v63  }
0xc0: {  	_ =	swait.ge [sflag:s31], $0x2000  }
0xc1: {  	[sflag:s31] =	ssyncset.done $0x0  }
0xc2: {  	[sflag:s31] =	ssyncadd.s32 $0xFFFFE000  }
0xc3: {  	[tilespmem:s13], [sflag:$0x2] =	stream.indirect.gather [hbm4b:s5+s12], $0x40, s10, s12, $0xb8;
	[tilespmem:$0x1EC00] =	vst v63  }
0xc4: {  	_ =	swait.ge [sflag:s3], $0x2000  }
0xc5: {  	[sflag:s3] =	ssyncset.done $0x0  }
0xc6: {  	[sflag:s3] =	ssyncadd.s32 $0xFFFFE000  }
0xc7: {  	_ =	swait.ge [sflag:s11], $0x2000  }
0xc8: {  	[sflag:s11] =	ssyncset.done $0x0  }
0xc9: {  	[sflag:s11] =	ssyncadd.s32 $0xFFFFE000  }
0xca: {  	_ =	swait.ge [sflag:s16], $0x2000  }
0xcb: {  	[sflag:s16] =	ssyncset.done $0x0  }
0xcc: {  	[sflag:s16] =	ssyncadd.s32 $0xFFFFE000  }
0xcd: {  	_ =	swait.ge [sflag:s20], $0x2000  }
0xce: {  	[sflag:s20] =	ssyncset.done $0x0  }
0xcf: {  	[sflag:s20] =	ssyncadd.s32 $0xFFFFE000  }
0xd0: {  	[tilespmem:s30], [sflag:$0x5] =	stream.indirect.gather [hbm4b:s5+s28], $0x40, s12, s28, $0xb8;
	[tilespmem:$0x1EC00] =	vst v63  }
0xd1: {  	s7 =	simm.s32 $0x180  }
0xd2: {  	[tilespmem:s14], [sflag:$0x6] =	stream.indirect.gather [hbm4b:s5+s28], $0x40, s7, s28, $0xb8;
	[tilespmem:$0x1EC00] =	vst v63  }
0xd3: {  	_ =	swait.ge [sflag:s1], $0x1200  }
0xd4: {  	[sflag:s1] =	ssyncset.done $0x0  }
0xd5: {  	s10 =	simm.s32 $0xC000;
	[sflag:s1] =	ssyncadd.s32 $0xFFFFEE00  }
0xd6: {  	[spmem:s2] =	stream.indirect.scatter.add.f32 [tilespmem:s30], [sflag:$0xD], $0x40, s10, s28, $0xb8;
	[tilespmem:$0x1EC00] =	vst v63  }
0xd7: {  	s13 =	simm.s32 $0x280  }
0xd8: {  	[tilespmem:s22], [sflag:$0x7] =	stream.indirect.gather [hbm4b:s5+s28], $0x40, s13, s28, $0xb8;
	[tilespmem:$0x1EC00] =	vst v63  }
0xd9: {  	_ =	swait.ge [sflag:s25], $0x1200  }
0xda: {  	[sflag:s25] =	ssyncset.done $0x0  }
0xdb: {  	s15 =	simm.s32 $0xC048;
	[sflag:s25] =	ssyncadd.s32 $0xFFFFEE00  }
0xdc: {  	[spmem:s2] =	stream.indirect.scatter.add.f32 [tilespmem:s14], [sflag:$0xE], $0x40, s15, s28, $0xb8;
	[tilespmem:$0x1EC00] =	vst v63  }
0xdd: {  	s7 =	simm.s32 $0x380  }
0xde: {  	[tilespmem:s18], [sflag:$0x8] =	stream.indirect.gather [hbm4b:s5+s28], $0x40, s7, s28, $0xb8;
	[tilespmem:$0x1EC00] =	vst v63  }
0xdf: {  	_ =	swait.ge [sflag:s0], $0x1200  }
0xe0: {  	[sflag:s0] =	ssyncset.done $0x0  }
0xe1: {  	s10 =	simm.s32 $0xC090;
	[sflag:s0] =	ssyncadd.s32 $0xFFFFEE00  }
0xe2: {  	[spmem:s2] =	stream.indirect.scatter.add.f32 [tilespmem:s22], [sflag:$0xF], $0x40, s10, s28, $0xb8;
	[tilespmem:$0x1EC00] =	vst v63  }
0xe3: {  	_ =	swait.ge [sflag:s17], $0x1200  }
0xe4: {  	[sflag:s17] =	ssyncset.done $0x0  }
0xe5: {  	s13 =	simm.s32 $0x480;
	[sflag:s17] =	ssyncadd.s32 $0xFFFFEE00  }
0xe6: {  	[tilespmem:s30], [sflag:$0x5] =	stream.indirect.gather [hbm4b:s5+s28], $0x40, s13, s28, $0xb8;
	[tilespmem:$0x1EC00] =	vst v63  }
0xe7: {  	_ =	swait.ge [sflag:s6], $0x1200  }
0xe8: {  	[sflag:s6] =	ssyncset.done $0x0  }
0xe9: {  	s15 =	simm.s32 $0xC0D8;
	[sflag:s6] =	ssyncadd.s32 $0xFFFFEE00  }
0xea: {  	[spmem:s2] =	stream.indirect.scatter.add.f32 [tilespmem:s18], [sflag:$0x10], $0x40, s15, s28, $0xb8;
	[tilespmem:$0x1EC00] =	vst v63  }
0xeb: {  	_ =	swait.ge [sflag:s8], $0x1200  }
0xec: {  	[sflag:s8] =	ssyncset.done $0x0  }
0xed: {  	s7 =	simm.s32 $0x580;
	[sflag:s8] =	ssyncadd.s32 $0xFFFFEE00  }
0xee: {  	[tilespmem:s14], [sflag:$0x6] =	stream.indirect.gather [hbm4b:s5+s28], $0x40, s7, s28, $0xb8;
	[tilespmem:$0x1EC00] =	vst v63  }
0xef: {  	_ =	swait.ge [sflag:s1], $0x1200  }
0xf0: {  	[sflag:s1] =	ssyncset.done $0x0  }
0xf1: {  	s10 =	simm.s32 $0xC120;
	[sflag:s1] =	ssyncadd.s32 $0xFFFFEE00  }
0xf2: {  	[spmem:s2] =	stream.indirect.scatter.add.f32 [tilespmem:s30], [sflag:$0xD], $0x40, s10, s28, $0xb8;
	[tilespmem:$0x1EC00] =	vst v63  }
0xf3: {  	_ =	swait.ge [sflag:s9], $0x1200  }
0xf4: {  	[sflag:s9] =	ssyncset.done $0x0  }
0xf5: {  	s13 =	simm.s32 $0x680;
	[sflag:s9] =	ssyncadd.s32 $0xFFFFEE00  }
0xf6: {  	[tilespmem:s22], [sflag:$0x7] =	stream.indirect.gather [hbm4b:s5+s28], $0x40, s13, s28, $0xb8;
	[tilespmem:$0x1EC00] =	vst v63  }
0xf7: {  	_ =	swait.ge [sflag:s25], $0x1200  }
0xf8: {  	[sflag:s25] =	ssyncset.done $0x0  }
0xf9: {  	s15 =	simm.s32 $0xC168;
	[sflag:s25] =	ssyncadd.s32 $0xFFFFEE00  }
0xfa: {  	[spmem:s2] =	stream.indirect.scatter.add.f32 [tilespmem:s14], [sflag:$0xE], $0x40, s15, s28, $0xb8;
	[tilespmem:$0x1EC00] =	vst v63  }
0xfb: {  	_ =	swait.ge [sflag:s21], $0x1200  }
0xfc: {  	[sflag:s21] =	ssyncset.done $0x0  }
0xfd: {  	s7 =	simm.s32 $0x780;
	[sflag:s21] =	ssyncadd.s32 $0xFFFFEE00  }
0xfe: {  	[tilespmem:s18], [sflag:$0x8] =	stream.indirect.gather [hbm4b:s5+s28], $0x40, s7, s28, $0xb8;
	[tilespmem:$0x1EC00] =	vst v63  }
0xff: {  	_ =	swait.ge [sflag:s0], $0x1200  }
0x100: {  	[sflag:s0] =	ssyncset.done $0x0  }
0x101: {  	s10 =	simm.s32 $0xC1B0;
	[sflag:s0] =	ssyncadd.s32 $0xFFFFEE00  }
0x102: {  	[spmem:s2] =	stream.indirect.scatter.add.f32 [tilespmem:s22], [sflag:$0xF], $0x40, s10, s28, $0xb8;
	[tilespmem:$0x1EC00] =	vst v63  }
0x103: {  	_ =	swait.ge [sflag:s17], $0x1200  }
0x104: {  	[sflag:s17] =	ssyncset.done $0x0  }
0x105: {  	s13 =	simm.s32 $0x880;
	[sflag:s17] =	ssyncadd.s32 $0xFFFFEE00  }
0x106: {  	[tilespmem:s30], [sflag:$0x5] =	stream.indirect.gather [hbm4b:s5+s28], $0x40, s13, s28, $0xb8;
	[tilespmem:$0x1EC00] =	vst v63  }
0x107: {  	_ =	swait.ge [sflag:s6], $0x1200  }
0x108: {  	[sflag:s6] =	ssyncset.done $0x0  }
0x109: {  	s15 =	simm.s32 $0xC1F8;
	[sflag:s6] =	ssyncadd.s32 $0xFFFFEE00  }
0x10a: {  	[spmem:s2] =	stream.indirect.scatter.add.f32 [tilespmem:s18], [sflag:$0x10], $0x40, s15, s28, $0xb8;
	[tilespmem:$0x1EC00] =	vst v63  }
0x10b: {  	_ =	swait.ge [sflag:s8], $0x1200  }
0x10c: {  	s7 =	simm.s32 $0x1000;
	[sflag:s8] =	ssyncset.done $0x0  }
0x10d: {  	s10 =	simm.s32 $0xC318;
	s13 =	simm.s32 $0x980;
	[sflag:s8] =	ssyncadd.s32 $0xFFFFEE00  }
.LBB2_8:
0x10e: {  	s4 =	smov.u32 s10  }
0x10f: {  	[tilespmem:s14], [sflag:$0x6] =	stream.indirect.gather [hbm4b:s5+s28], $0x40, s13, s28, $0xb8;
	[tilespmem:$0x1EC00] =	vst v63  }
0x110: {  	s13 =	smov.u32 s7  }
0x111: {  	p0 =	sne.s32 s7, $0x1D000;
	s7 =	sadd.s32 $0x1000, s7;
	_ =	swait.ge [sflag:s1], $0x1200  }
0x112: {  	[sflag:s1] =	ssyncset.done $0x0  }
0x113: {  	s15 =	sadd.s32 $0xFFFFFF28, s10;
	[sflag:s1] =	ssyncadd.s32 $0xFFFFEE00  }
0x114: {  	[spmem:s2] =	stream.indirect.scatter.add.f32 [tilespmem:s30], [sflag:$0xD], $0x40, s15, s28, $0xb8;
	[tilespmem:$0x1EC00] =	vst v63  }
0x115: {  	_ =	swait.ge [sflag:s9], $0x1200  }
0x116: {  	s13 =	sshra.s32 s13, $0x2;
	[sflag:s9] =	ssyncset.done $0x0  }
0x117: {  	s15 =	sadd.s32 $0x680, s13;
	[sflag:s9] =	ssyncadd.s32 $0xFFFFEE00  }
0x118: {  	[tilespmem:s22], [sflag:$0x7] =	stream.indirect.gather [hbm4b:s5+s28], $0x40, s15, s28, $0xb8;
	[tilespmem:$0x1EC00] =	vst v63  }
0x119: {  	_ =	swait.ge [sflag:s25], $0x1200  }
0x11a: {  	[sflag:s25] =	ssyncset.done $0x0  }
0x11b: {  	s15 =	sadd.s32 $0xFFFFFF70, s10;
	[sflag:s25] =	ssyncadd.s32 $0xFFFFEE00  }
0x11c: {  	[spmem:s2] =	stream.indirect.scatter.add.f32 [tilespmem:s14], [sflag:$0xE], $0x40, s15, s28, $0xb8;
	[tilespmem:$0x1EC00] =	vst v63  }
0x11d: {  	_ =	swait.ge [sflag:s21], $0x1200  }
0x11e: {  	[sflag:s21] =	ssyncset.done $0x0  }
0x11f: {  	s15 =	sadd.s32 $0x780, s13;
	[sflag:s21] =	ssyncadd.s32 $0xFFFFEE00  }
0x120: {  	[tilespmem:s18], [sflag:$0x8] =	stream.indirect.gather [hbm4b:s5+s28], $0x40, s15, s28, $0xb8;
	[tilespmem:$0x1EC00] =	vst v63  }
0x121: {  	_ =	swait.ge [sflag:s0], $0x1200  }
0x122: {  	[sflag:s0] =	ssyncset.done $0x0  }
0x123: {  	s15 =	sadd.s32 $0xFFFFFFB8, s10;
	[sflag:s0] =	ssyncadd.s32 $0xFFFFEE00  }
0x124: {  	[spmem:s2] =	stream.indirect.scatter.add.f32 [tilespmem:s22], [sflag:$0xF], $0x40, s15, s28, $0xb8;
	[tilespmem:$0x1EC00] =	vst v63  }
0x125: {  	_ =	swait.ge [sflag:s17], $0x1200  }
0x126: {  	[sflag:s17] =	ssyncset.done $0x0  }
0x127: {  	s15 =	sadd.s32 $0x880, s13;
	[sflag:s17] =	ssyncadd.s32 $0xFFFFEE00  }
0x128: {  	[tilespmem:s30], [sflag:$0x5] =	stream.indirect.gather [hbm4b:s5+s28], $0x40, s15, s28, $0xb8;
	[tilespmem:$0x1EC00] =	vst v63  }
0x129: {  	_ =	swait.ge [sflag:s6], $0x1200  }
0x12a: {  	[sflag:s6] =	ssyncset.done $0x0  }
.Ltmp3:
0x12b: {  	[sflag:s6] =	ssyncadd.s32 $0xFFFFEE00;
	(pc) =	sbr.rel @p0 .LBB2_8-.Ltmp3, $4  }
0x12c: {  	[spmem:s2] =	stream.indirect.scatter.add.f32 [tilespmem:s18], [sflag:$0x10], $0x40, s10, s28, $0xb8;
	[tilespmem:$0x1EC00] =	vst v63  }
0x12d: {  	_ =	swait.ge [sflag:s8], $0x1200  }
0x12e: {  	[sflag:s8] =	ssyncset.done $0x0  }
0x12f: {  	s13 =	sadd.s32 $0x980, s13;
	s10 =	sadd.s32 $0x120, s10;
	[sflag:s8] =	ssyncadd.s32 $0xFFFFEE00  }
0x130: {  	[tilespmem:s14], [sflag:$0x6] =	stream.indirect.gather [hbm4b:s5+s28], $0x40, s13, s28, $0xb8;
	[tilespmem:$0x1EC00] =	vst v63  }
0x131: {  	_ =	swait.ge [sflag:s1], $0x1200  }
0x132: {  	[sflag:s1] =	ssyncset.done $0x0  }
0x133: {  	s7 =	sadd.s32 $0x48, s4;
	[sflag:s1] =	ssyncadd.s32 $0xFFFFEE00  }
0x134: {  	[spmem:s2] =	stream.indirect.scatter.add.f32 [tilespmem:s30], [sflag:$0xD], $0x40, s7, s28, $0xb8;
	[tilespmem:$0x1EC00] =	vst v63  }
0x135: {  	_ =	swait.ge [sflag:s9], $0x1200  }
0x136: {  	[sflag:s9] =	ssyncset.done $0x0  }
0x137: {  	s15 =	simm.s32 $0x7E80;
	[sflag:s9] =	ssyncadd.s32 $0xFFFFEE00  }
0x138: {  	[tilespmem:s22], [sflag:$0x7] =	stream.indirect.gather [hbm4b:s5+s28], $0x40, s15, s28, $0xb8;
	[tilespmem:$0x1EC00] =	vst v63  }
0x139: {  	_ =	swait.ge [sflag:s25], $0x1200  }
0x13a: {  	[sflag:s25] =	ssyncset.done $0x0  }
0x13b: {  	s7 =	sadd.s32 $0x90, s4;
	[sflag:s25] =	ssyncadd.s32 $0xFFFFEE00  }
0x13c: {  	[spmem:s2] =	stream.indirect.scatter.add.f32 [tilespmem:s14], [sflag:$0xE], $0x40, s7, s28, $0xb8;
	[tilespmem:$0x1EC00] =	vst v63  }
0x13d: {  	_ =	swait.ge [sflag:s21], $0x1200  }
0x13e: {  	[sflag:s21] =	ssyncset.done $0x0  }
0x13f: {  	s10 =	simm.s32 $0x7F80;
	[sflag:s21] =	ssyncadd.s32 $0xFFFFEE00  }
0x140: {  	[tilespmem:s18], [sflag:$0x8] =	stream.indirect.gather [hbm4b:s5+s28], $0x40, s10, s28, $0xb8;
	[tilespmem:$0x1EC00] =	vst v63  }
0x141: {  	_ =	swait.ge [sflag:s0], $0x1200  }
0x142: {  	[sflag:s0] =	ssyncset.done $0x0  }
0x143: {  	s13 =	simm.s32 $0xE370;
	[sflag:s0] =	ssyncadd.s32 $0xFFFFEE00  }
0x144: {  	[spmem:s2] =	stream.indirect.scatter.add.f32 [tilespmem:s22], [sflag:$0xF], $0x40, s13, s28, $0xb8;
	[tilespmem:$0x1EC00] =	vst v63  }
0x145: {  	_ =	swait.ge [sflag:s17], $0x1200  }
0x146: {  	[sflag:s17] =	ssyncset.done $0x0  }
0x147: {  	[sflag:s17] =	ssyncadd.s32 $0xFFFFEE00  }
0x148: {  	[tilespmem:s30], [sflag:$0x5] =	stream.indirect.gather [hbm4b:s5+s28], $0x40, s10, s28, $0xb8;
	[tilespmem:$0x1EC00] =	vst v63  }
0x149: {  	_ =	swait.ge [sflag:s6], $0x1200  }
0x14a: {  	[sflag:s6] =	ssyncset.done $0x0  }
0x14b: {  	s15 =	simm.s32 $0xE3B8;
	[sflag:s6] =	ssyncadd.s32 $0xFFFFEE00  }
0x14c: {  	[spmem:s2] =	stream.indirect.scatter.add.f32 [tilespmem:s18], [sflag:$0x10], $0x40, s15, s28, $0xb8;
	[tilespmem:$0x1EC00] =	vst v63  }
0x14d: {  	_ =	swait.ge [sflag:s8], $0x1200  }
0x14e: {  	[sflag:s8] =	ssyncset.done $0x0  }
0x14f: {  	[sflag:s8] =	ssyncadd.s32 $0xFFFFEE00  }
0x150: {  	[tilespmem:s14], [sflag:$0x6] =	stream.indirect.gather [hbm4b:s5+s28], $0x40, s10, s28, $0xb8;
	[tilespmem:$0x1EC00] =	vst v63  }
0x151: {  	_ =	swait.ge [sflag:s9], $0x1200  }
0x152: {  	[sflag:s9] =	ssyncset.done $0x0  }
0x153: {  	[sflag:s9] =	ssyncadd.s32 $0xFFFFEE00  }
0x154: {  	_ =	swait.ge [sflag:s21], $0x1200  }
0x155: {  	[sflag:s21] =	ssyncset.done $0x0  }
0x156: {  	[sflag:s21] =	ssyncadd.s32 $0xFFFFEE00  }
0x157: {  	_ =	swait.ge [sflag:s1], $0x1200  }
0x158: {  	[sflag:s1] =	ssyncset.done $0x0  }
0x159: {  	s7 =	stileid.u32;
	[sflag:s1] =	ssyncadd.s32 $0xFFFFEE00  }
0x15a: {  	s4 =	sshll.u32 s7, $0x6;
	_ =	swait.ge [sflag:s25], $0x1200  }
0x15b: {  	s4 =	sor.u32 $0x1C11, s4;
	[sflag:s25] =	ssyncset.done $0x0;
	s10 =	rddreg [dreg:$0x5]  }
0x15c: {  	[sflag:s25] =	ssyncadd.s32 $0xFFFFEE00;
	s7 =	sshrl.u32 s10, $0x3;
	s10 =	rddreg [dreg:$0x6]  }
0x15d: {  	[hbm:s10], [sflag:s4] =	dma.local [spmem:s7], $0x400  }
0x15e: {  	s10 =	simm.s32 $0x11  }
0x15f: {  	_ =	swait.ge [sflag:s10], $0x400  }
0x160: {  	s13 =	rddreg [dreg:$0x8]  }
0x161: {  	s15 =	rddreg [dreg:$0x7];
	s7 =	sadd.s32 $0x1, s13  }
0x162: {  	p0 =	sne.s32 s7, s15  }
.Ltmp4:
0x163: {  	_ = 	snop;
	(pc) =	sbr.rel @p0 .LBB2_1-.Ltmp4, $3  }
0x164: {  	_ =	sdelay $0x1  }
0x165: {  	[sflag:s10] =	ssyncset.done $0x0  }
0x166: {  	[sflag:s10] =	ssyncadd.s32 $0xFFFFFC00;
	s15 =	rddreg [dreg:$0x3]  }
0x167: {  	_ =	sfence.sel $0x180000  }
0x168: {  	[bflag:$0x0] =	sbarrier.arrive $0xFFFF  }
0x169: {  	_ =	strace $0x90000047  }
0x16a: {  	s0 =	stileid.u32;
	[bflag:$0x2] =	sbarrier.arrive $0xFFFF  }
0x16b: {  	p0 =	sne.s32 s0, $0x0;
	s0 =	rddreg [dreg:$0x2]  }
0x16c: {  	s0 =	sadd.s32 @!p0 $0x100000, s0  }
0x16d: {  	[sflag:s0] =	ssyncadd.tile.s32 @!p0 $0x1;
	_ =	shalt  }
.Lfunc_end2:
_tile_overlayer_lowered:
.L_overlay_start_2:
0x16e: {  	(tag) =	ssettag $0x2  }
0x16f: {  	s0 =	rddreg [dreg:$0x0];
	s2 =	stileid.u32  }
0x170: {  	s1 =	rddreg [dreg:$0x1];
	p0 =	sne.s32 s2, $0x0  }
0x171: {  	s3 =	rddreg [dreg:$0x2];
	[bflag:$0x3] =	sbarrier.arrive $0xFFFF;
	s2 =	simm.s32 @!p0 $0x1C11  }
0x172: {  	[timem:s3], [sflag:s2] =	dma.local @!p0 [hbm:s0], s1  }
0x173: {  	s0 =	simm.s32 @!p0 $0x11  }
0x174: {  	_ =	swait.ge @!p0 [sflag:s0], s1  }
0x175: {  	s1 =	ssub.s32 @!p0 $0x0, s1;
	[sflag:s0] =	ssyncset.done @!p0 $0x0  }
0x176: {  	[sflag:s0] =	ssyncadd.s32 @!p0 s1  }
0x177: {  	[bflag:$0x3] =	sbarrier.arrive $0xFFFF  }
0x178: {  	_ =	shalt  }

</sc_bundles>
